<compile_context>
chip_gen: v7x
topology: tpu7x:2x2x1
jax: 0.10.2.dev20260603
libtpu: 0.0.44.dev20260713+nightly
codegen_flags: <defaults>
</compile_context>

<pallas_src>
import jax
import jax.numpy as jnp
from jax import lax
from jax.experimental import pallas as pl
from jax.experimental.pallas import tpu as pltpu
from jax.experimental.pallas import tpu_sc as plsc

_MARK_AX = 0
_OP_SHL = 1
_OP_SHR = 2
_ALU_LO = 3
_ALU_HI = 19
_AX_CARRY_LO = 35
_OUTPUT_LO = 51
_OUTPUT_HI = 67

_NC = 2
_NS = 16
_L = 16
_NW = _NC * _NS

_B = 8
_S = 2048
_F = 96
_ROWS_PER_W = _B * _S // _NW
_GROUPS = _ROWS_PER_W // _L
_W_PER_B = _S // _ROWS_PER_W


def _sc_body(x_hbm, out_hbm, buf):
    c = lax.axis_index("c")
    s = lax.axis_index("s")
    wid = s * _NC + c
    bi = wid // _W_PER_B
    r0 = (wid % _W_PER_B) * _ROWS_PER_W

    pltpu.sync_copy(x_hbm.at[bi, pl.ds(r0, _ROWS_PER_W)], buf)
    lane_iota = lax.iota(jnp.int32, _L)

    @plsc.parallel_loop(0, _GROUPS, 1, unroll=2)
    def group(g):
        rows = lane_iota + g * _L

        def gcol(col):
            return plsc.load_gather(buf, [rows, jnp.full((_L,), col, jnp.int32)])

        def wargmax(lo):
            vals = [gcol(lo + j) for j in range(16)]
            idxs = [jnp.full((_L,), j, jnp.int32) for j in range(16)]
            while len(vals) > 1:
                nv, ni = [], []
                for a in range(0, len(vals), 2):
                    m = vals[a + 1] > vals[a]
                    nv.append(jnp.where(m, vals[a + 1], vals[a]))
                    ni.append(jnp.where(m, idxs[a + 1], idxs[a]))
                vals, idxs = nv, ni
            return idxs[0]

        val_lo = wargmax(_ALU_LO)
        val_hi = wargmax(_ALU_HI)
        shift_amt = jnp.minimum(wargmax(_AX_CARRY_LO), 31)

        active = (gcol(_MARK_AX) >= 0.5) & (
            (gcol(_OP_SHL) > 0.5) | (gcol(_OP_SHR) > 0.5))
        is_shl = gcol(_OP_SHL) > 0.5

        value = val_lo + (val_hi << 4)
        shl_res = (value << shift_amt) & 255
        shr_res = lax.shift_right_logical(value, shift_amt)
        result = jnp.where(is_shl, shl_res, shr_res)

        two = jnp.full((_L,), 2.0, jnp.float32)
        plsc.addupdate_scatter(
            buf, [rows, (result & 15) + _OUTPUT_LO], two, mask=active)
        plsc.addupdate_scatter(
            buf, [rows, (result >> 4) + _OUTPUT_HI], two, mask=active)

    pltpu.sync_copy(buf, out_hbm.at[bi, pl.ds(r0, _ROWS_PER_W)])


def kernel(x_bd):
    b, sq, f = x_bd.shape
    mesh = plsc.VectorSubcoreMesh(
        core_axis_name="c", subcore_axis_name="s",
        num_cores=_NC, num_subcores=_NS)
    run = pl.kernel(
        _sc_body,
        out_type=jax.ShapeDtypeStruct((b, sq, f), x_bd.dtype),
        mesh=mesh,
        scratch_types=[pltpu.VMEM((_ROWS_PER_W, f), jnp.float32)],
        compiler_params=pltpu.CompilerParams(needs_layout_passes=False),
    )
    return run(x_bd)

# --- scband reference (transcript-rebuilt; emitter-appended) ---
"""Pipeline reference for scband-efficient-byte-shift-7945689497963 (READ-ONLY COPY).

The authoritative reference and input builder live on the scoring server;
editing this copy changes nothing except your own understanding.
"""

import jax, jax.numpy as jnp
import numpy as np

MARK_AX = 0
OP_SHL = 1
OP_SHR = 2
ALU_LO = 3
ALU_HI = 19
AX_CARRY_LO = 35
OUTPUT_LO = 51
OUTPUT_HI = 67


def setup_inputs(seed: int = 0) -> dict:
    key = jax.random.key(seed)
    x_bd = jax.random.uniform(key, (8, 2048, 96), dtype=jnp.float32)
    return {"x_bd": x_bd}


def reference(x_bd):
    # Active positions: MARK_AX >= 0.5 and (OP_SHL > 0.5 or OP_SHR > 0.5)
    mark = x_bd[..., MARK_AX] >= 0.5
    is_shl = x_bd[..., OP_SHL] > 0.5
    is_shr = x_bd[..., OP_SHR] > 0.5
    active = jnp.logical_and(mark, jnp.logical_or(is_shl, is_shr))

    # Decode 8-bit value from two 4-bit nibble one-hot lanes via argmax
    val_lo = jnp.argmax(x_bd[..., ALU_LO:ALU_LO + 16], axis=-1).astype(jnp.int32)
    val_hi = jnp.argmax(x_bd[..., ALU_HI:ALU_HI + 16], axis=-1).astype(jnp.int32)
    value = val_lo + jnp.left_shift(val_hi, 4)

    shift_amt = jnp.argmax(x_bd[..., AX_CARRY_LO:AX_CARRY_LO + 16], axis=-1).astype(jnp.int32)
    shift_amt = jnp.minimum(shift_amt, 31)

    shl_res = jnp.bitwise_and(jnp.left_shift(value, shift_amt), 255)
    shr_res = jnp.right_shift(value, shift_amt)
    # Original semantics: if is_shl use SHL result, elif is_shr use SHR result
    result = jnp.where(is_shl, shl_res, shr_res)

    res_lo = jnp.bitwise_and(result, 15)
    res_hi = jnp.right_shift(result, 4)

    amp = jnp.where(active, jnp.float32(2.0), jnp.float32(0.0))
    add_lo = jax.nn.one_hot(res_lo, 16, dtype=x_bd.dtype) * amp[..., None]
    add_hi = jax.nn.one_hot(res_hi, 16, dtype=x_bd.dtype) * amp[..., None]

    out = x_bd
    out = out.at[..., OUTPUT_LO:OUTPUT_LO + 16].add(add_lo)
    out = out.at[..., OUTPUT_HI:OUTPUT_HI + 16].add(add_hi)
    return out

if __name__ == "__main__":
    import jax
    _d = setup_inputs()
    print(jax.jit(kernel)(*tuple(_d.values())))

</pallas_src>

<mosaic_0001>
#map = affine_map<(d0, d1) -> (0, 0, 0)>
module attributes {stable_mosaic.version = 14 : i64} {
  func.func @_sc_body(%arg0: i32, %arg1: i32, %arg2: memref<8x2048x96xf32, #tpu.memory_space<hbm>>, %arg3: memref<8x2048x96xf32, #tpu.memory_space<hbm>>, %arg4: memref<512x96xf32, #tpu.memory_space<vmem>>) attributes {dimension_semantics = [#tpu.dimension_semantics<core_parallel>, #tpu.dimension_semantics<subcore_parallel>], iteration_bounds = array<i64: 2, 16>, scalar_prefetch = 0 : i64, scratch_operands = 1 : i64, tpu.core_type = #tpu.core_type<sc_vector_subcore>, window_params = [{transform_indices = #map}, {transform_indices = #map}]} {
    %mul3A = arith.constant 2 : i32
    %mul3A_0 = arith.muli %arg1, %mul3A : i32
    %add3A = arith.addi %mul3A_0, %arg0 : i32
    %jit3A = arith.constant 4 : i32
    %div3A = arith.divsi %add3A, %jit3A : i32
    %sign3A = arith.constant 0 : i32
    %sign3A_1 = arith.cmpi sgt, %add3A, %sign3A : i32
    %sign3A_2 = arith.extui %sign3A_1 : i1 to i32
    %sign3A_3 = arith.constant 0 : i32
    %sign3A_4 = arith.cmpi slt, %add3A, %sign3A_3 : i32
    %sign3A_5 = arith.extui %sign3A_4 : i1 to i32
    %sign3A_6 = arith.subi %sign3A_2, %sign3A_5 : i32
    %sign3A_7 = arith.constant 0 : i32
    %sign3A_8 = arith.cmpi sgt, %jit3A, %sign3A_7 : i32
    %sign3A_9 = arith.extui %sign3A_8 : i1 to i32
    %sign3A_10 = arith.constant 0 : i32
    %sign3A_11 = arith.cmpi slt, %jit3A, %sign3A_10 : i32
    %sign3A_12 = arith.extui %sign3A_11 : i1 to i32
    %sign3A_13 = arith.subi %sign3A_9, %sign3A_12 : i32
    %ne3A = arith.cmpi ne, %sign3A_6, %sign3A_13 : i32
    %rem3A = arith.remsi %add3A, %jit3A : i32
    %ne3A_14 = arith.constant 0 : i32
    %ne3A_15 = arith.cmpi ne, %rem3A, %ne3A_14 : i32
    %and3A = arith.andi %ne3A, %ne3A_15 : i1
    %sub3A = arith.constant 1 : i32
    %sub3A_16 = arith.subi %div3A, %sub3A : i32
    %select_n3A = arith.select %and3A, %sub3A_16, %div3A : i32
    %jit3A_17 = arith.constant 4 : i32
    %eq3A = arith.constant 0 : i32
    %eq3A_18 = arith.cmpi eq, %jit3A_17, %eq3A : i32
    %jit3A_19 = arith.constant 1 : i32
    %select_n3A_20 = arith.select %eq3A_18, %jit3A_19, %jit3A_17 : i32
    %rem3A_21 = arith.remsi %add3A, %select_n3A_20 : i32
    %ne3A_22 = arith.constant 0 : i32
    %ne3A_23 = arith.cmpi ne, %rem3A_21, %ne3A_22 : i32
    %lt3A = arith.constant 0 : i32
    %lt3A_24 = arith.cmpi slt, %rem3A_21, %lt3A : i32
    %lt3A_25 = arith.constant 0 : i32
    %lt3A_26 = arith.cmpi slt, %select_n3A_20, %lt3A_25 : i32
    %ne3A_27 = arith.xori %lt3A_24, %lt3A_26 : i1
    %and3A_28 = arith.andi %ne3A_27, %ne3A_23 : i1
    %add3A_29 = arith.addi %rem3A_21, %select_n3A_20 : i32
    %select_n3A_30 = arith.select %and3A_28, %add3A_29, %rem3A_21 : i32
    %mul3A_31 = arith.constant 512 : i32
    %mul3A_32 = arith.muli %select_n3A_30, %mul3A_31 : i32
    "tpu.region"() ({
      %run_scoped3A = tpu.sem_alloc : memref<!tpu.dma_semaphore, #tpu.memory_space<semaphore_mem>>
      %dma_start3A = arith.constant 0 : i32
      %dma_start3A_35 = tpu.memref_slice %arg2[%select_n3A, %mul3A_32, %dma_start3A] : memref<8x2048x96xf32, #tpu.memory_space<hbm>> -> memref<1x512x96xf32, #tpu.memory_space<hbm>>
      %dma_start3A_36 = tpu.memref_squeeze %dma_start3A_35 : memref<1x512x96xf32, #tpu.memory_space<hbm>> -> memref<512x96xf32, #tpu.memory_space<hbm>>
      %dma_start3A_37 = arith.constant 0 : i32
      %dma_start3A_38 = tpu.memref_slice %arg2[%select_n3A, %mul3A_32, %dma_start3A_37] : memref<8x2048x96xf32, #tpu.memory_space<hbm>> -> memref<1x512x96xf32, #tpu.memory_space<hbm>>
      %dma_start3A_39 = tpu.memref_squeeze %dma_start3A_38 : memref<1x512x96xf32, #tpu.memory_space<hbm>> -> memref<512x96xf32, #tpu.memory_space<hbm>>
      tpu.enqueue_dma source(%dma_start3A_39 : memref<512x96xf32, #tpu.memory_space<hbm>>) target(%arg4 : memref<512x96xf32, #tpu.memory_space<vmem>>) target_semaphore(%run_scoped3A : memref<!tpu.dma_semaphore, #tpu.memory_space<semaphore_mem>>)
      %dma_wait3A = arith.constant 0 : i32
      %dma_wait3A_40 = tpu.memref_slice %arg2[%select_n3A, %mul3A_32, %dma_wait3A] : memref<8x2048x96xf32, #tpu.memory_space<hbm>> -> memref<1x512x96xf32, #tpu.memory_space<hbm>>
      %dma_wait3A_41 = tpu.memref_squeeze %dma_wait3A_40 : memref<1x512x96xf32, #tpu.memory_space<hbm>> -> memref<512x96xf32, #tpu.memory_space<hbm>>
      %dma_wait3A_42 = arith.constant 0 : i32
      %dma_wait3A_43 = tpu.memref_slice %arg2[%select_n3A, %mul3A_32, %dma_wait3A_42] : memref<8x2048x96xf32, #tpu.memory_space<hbm>> -> memref<1x512x96xf32, #tpu.memory_space<hbm>>
      %dma_wait3A_44 = tpu.memref_squeeze %dma_wait3A_43 : memref<1x512x96xf32, #tpu.memory_space<hbm>> -> memref<512x96xf32, #tpu.memory_space<hbm>>
      tpu.wait_dma2 semaphore(%run_scoped3A : memref<!tpu.dma_semaphore, #tpu.memory_space<semaphore_mem>>) src(%dma_wait3A_44 : memref<512x96xf32, #tpu.memory_space<hbm>>) dst(%arg4 : memref<512x96xf32, #tpu.memory_space<vmem>>)
      tpu.yield
    }) : () -> ()
    %iota3A = tpu.iota {dimensions = array<i32: 0>} : vector<16xi32>
    %parallel_loop3A = arith.constant 0 : i32
    %parallel_loop3A_33 = arith.constant 32 : i32
    %parallel_loop3A_34 = arith.constant 1 : i32
    scf.for %parallel_loop3A_35 = %parallel_loop3A to %parallel_loop3A_33 step %parallel_loop3A_34  : i32 {
      %parallel_loop3A_36 = arith.constant 16 : i32
      %parallel_loop3A_37 = arith.muli %parallel_loop3A_35, %parallel_loop3A_36 : i32
      %parallel_loop3A_38 = vector.broadcast %parallel_loop3A_37 : i32 to vector<16xi32>
      %parallel_loop3A_39 = arith.addi %iota3A, %parallel_loop3A_38 : vector<16xi32>
      %parallel_loop3A_40 = arith.constant 3 : i32
      %parallel_loop3A_41 = vector.broadcast %parallel_loop3A_40 : i32 to vector<16xi32>
      %parallel_loop3A_42 = tpu.vector_load_idx %arg4[%parallel_loop3A_39, %parallel_loop3A_41] : memref<512x96xf32, #tpu.memory_space<vmem>>[vector<16xi32>, vector<16xi32>], vector<16xf32>,
      %parallel_loop3A_43 = arith.constant 4 : i32
      %parallel_loop3A_44 = vector.broadcast %parallel_loop3A_43 : i32 to vector<16xi32>
      %parallel_loop3A_45 = tpu.vector_load_idx %arg4[%parallel_loop3A_39, %parallel_loop3A_44] : memref<512x96xf32, #tpu.memory_space<vmem>>[vector<16xi32>, vector<16xi32>], vector<16xf32>,
      %parallel_loop3A_46 = arith.constant 5 : i32
      %parallel_loop3A_47 = vector.broadcast %parallel_loop3A_46 : i32 to vector<16xi32>
      %parallel_loop3A_48 = tpu.vector_load_idx %arg4[%parallel_loop3A_39, %parallel_loop3A_47] : memref<512x96xf32, #tpu.memory_space<vmem>>[vector<16xi32>, vector<16xi32>], vector<16xf32>,
      %parallel_loop3A_49 = arith.constant 6 : i32
      %parallel_loop3A_50 = vector.broadcast %parallel_loop3A_49 : i32 to vector<16xi32>
      %parallel_loop3A_51 = tpu.vector_load_idx %arg4[%parallel_loop3A_39, %parallel_loop3A_50] : memref<512x96xf32, #tpu.memory_space<vmem>>[vector<16xi32>, vector<16xi32>], vector<16xf32>,
      %parallel_loop3A_52 = arith.constant 7 : i32
      %parallel_loop3A_53 = vector.broadcast %parallel_loop3A_52 : i32 to vector<16xi32>
      %parallel_loop3A_54 = tpu.vector_load_idx %arg4[%parallel_loop3A_39, %parallel_loop3A_53] : memref<512x96xf32, #tpu.memory_space<vmem>>[vector<16xi32>, vector<16xi32>], vector<16xf32>,
      %parallel_loop3A_55 = arith.constant 8 : i32
      %parallel_loop3A_56 = vector.broadcast %parallel_loop3A_55 : i32 to vector<16xi32>
      %parallel_loop3A_57 = tpu.vector_load_idx %arg4[%parallel_loop3A_39, %parallel_loop3A_56] : memref<512x96xf32, #tpu.memory_space<vmem>>[vector<16xi32>, vector<16xi32>], vector<16xf32>,
      %parallel_loop3A_58 = arith.constant 9 : i32
      %parallel_loop3A_59 = vector.broadcast %parallel_loop3A_58 : i32 to vector<16xi32>
      %parallel_loop3A_60 = tpu.vector_load_idx %arg4[%parallel_loop3A_39, %parallel_loop3A_59] : memref<512x96xf32, #tpu.memory_space<vmem>>[vector<16xi32>, vector<16xi32>], vector<16xf32>,
      %parallel_loop3A_61 = arith.constant 10 : i32
      %parallel_loop3A_62 = vector.broadcast %parallel_loop3A_61 : i32 to vector<16xi32>
      %parallel_loop3A_63 = tpu.vector_load_idx %arg4[%parallel_loop3A_39, %parallel_loop3A_62] : memref<512x96xf32, #tpu.memory_space<vmem>>[vector<16xi32>, vector<16xi32>], vector<16xf32>,
      %parallel_loop3A_64 = arith.constant 11 : i32
      %parallel_loop3A_65 = vector.broadcast %parallel_loop3A_64 : i32 to vector<16xi32>
      %parallel_loop3A_66 = tpu.vector_load_idx %arg4[%parallel_loop3A_39, %parallel_loop3A_65] : memref<512x96xf32, #tpu.memory_space<vmem>>[vector<16xi32>, vector<16xi32>], vector<16xf32>,
      %parallel_loop3A_67 = arith.constant 12 : i32
      %parallel_loop3A_68 = vector.broadcast %parallel_loop3A_67 : i32 to vector<16xi32>
      %parallel_loop3A_69 = tpu.vector_load_idx %arg4[%parallel_loop3A_39, %parallel_loop3A_68] : memref<512x96xf32, #tpu.memory_space<vmem>>[vector<16xi32>, vector<16xi32>], vector<16xf32>,
      %parallel_loop3A_70 = arith.constant 13 : i32
      %parallel_loop3A_71 = vector.broadcast %parallel_loop3A_70 : i32 to vector<16xi32>
      %parallel_loop3A_72 = tpu.vector_load_idx %arg4[%parallel_loop3A_39, %parallel_loop3A_71] : memref<512x96xf32, #tpu.memory_space<vmem>>[vector<16xi32>, vector<16xi32>], vector<16xf32>,
      %parallel_loop3A_73 = arith.constant 14 : i32
      %parallel_loop3A_74 = vector.broadcast %parallel_loop3A_73 : i32 to vector<16xi32>
      %parallel_loop3A_75 = tpu.vector_load_idx %arg4[%parallel_loop3A_39, %parallel_loop3A_74] : memref<512x96xf32, #tpu.memory_space<vmem>>[vector<16xi32>, vector<16xi32>], vector<16xf32>,
      %parallel_loop3A_76 = arith.constant 15 : i32
      %parallel_loop3A_77 = vector.broadcast %parallel_loop3A_76 : i32 to vector<16xi32>
      %parallel_loop3A_78 = tpu.vector_load_idx %arg4[%parallel_loop3A_39, %parallel_loop3A_77] : memref<512x96xf32, #tpu.memory_space<vmem>>[vector<16xi32>, vector<16xi32>], vector<16xf32>,
      %parallel_loop3A_79 = arith.constant 16 : i32
      %parallel_loop3A_80 = vector.broadcast %parallel_loop3A_79 : i32 to vector<16xi32>
      %parallel_loop3A_81 = tpu.vector_load_idx %arg4[%parallel_loop3A_39, %parallel_loop3A_80] : memref<512x96xf32, #tpu.memory_space<vmem>>[vector<16xi32>, vector<16xi32>], vector<16xf32>,
      %parallel_loop3A_82 = arith.constant 17 : i32
      %parallel_loop3A_83 = vector.broadcast %parallel_loop3A_82 : i32 to vector<16xi32>
      %parallel_loop3A_84 = tpu.vector_load_idx %arg4[%parallel_loop3A_39, %parallel_loop3A_83] : memref<512x96xf32, #tpu.memory_space<vmem>>[vector<16xi32>, vector<16xi32>], vector<16xf32>,
      %parallel_loop3A_85 = arith.constant 18 : i32
      %parallel_loop3A_86 = vector.broadcast %parallel_loop3A_85 : i32 to vector<16xi32>
      %parallel_loop3A_87 = tpu.vector_load_idx %arg4[%parallel_loop3A_39, %parallel_loop3A_86] : memref<512x96xf32, #tpu.memory_space<vmem>>[vector<16xi32>, vector<16xi32>], vector<16xf32>,
      %parallel_loop3A_88 = arith.constant 0 : i32
      %parallel_loop3A_89 = vector.broadcast %parallel_loop3A_88 : i32 to vector<16xi32>
      %parallel_loop3A_90 = arith.constant 1 : i32
      %parallel_loop3A_91 = vector.broadcast %parallel_loop3A_90 : i32 to vector<16xi32>
      %parallel_loop3A_92 = arith.constant 2 : i32
      %parallel_loop3A_93 = vector.broadcast %parallel_loop3A_92 : i32 to vector<16xi32>
      %parallel_loop3A_94 = arith.constant 3 : i32
      %parallel_loop3A_95 = vector.broadcast %parallel_loop3A_94 : i32 to vector<16xi32>
      %parallel_loop3A_96 = arith.constant 4 : i32
      %parallel_loop3A_97 = vector.broadcast %parallel_loop3A_96 : i32 to vector<16xi32>
      %parallel_loop3A_98 = arith.constant 5 : i32
      %parallel_loop3A_99 = vector.broadcast %parallel_loop3A_98 : i32 to vector<16xi32>
      %parallel_loop3A_100 = arith.constant 6 : i32
      %parallel_loop3A_101 = vector.broadcast %parallel_loop3A_100 : i32 to vector<16xi32>
      %parallel_loop3A_102 = arith.constant 7 : i32
      %parallel_loop3A_103 = vector.broadcast %parallel_loop3A_102 : i32 to vector<16xi32>
      %parallel_loop3A_104 = arith.constant 8 : i32
      %parallel_loop3A_105 = vector.broadcast %parallel_loop3A_104 : i32 to vector<16xi32>
      %parallel_loop3A_106 = arith.constant 9 : i32
      %parallel_loop3A_107 = vector.broadcast %parallel_loop3A_106 : i32 to vector<16xi32>
      %parallel_loop3A_108 = arith.constant 10 : i32
      %parallel_loop3A_109 = vector.broadcast %parallel_loop3A_108 : i32 to vector<16xi32>
      %parallel_loop3A_110 = arith.constant 11 : i32
      %parallel_loop3A_111 = vector.broadcast %parallel_loop3A_110 : i32 to vector<16xi32>
      %parallel_loop3A_112 = arith.constant 12 : i32
      %parallel_loop3A_113 = vector.broadcast %parallel_loop3A_112 : i32 to vector<16xi32>
      %parallel_loop3A_114 = arith.constant 13 : i32
      %parallel_loop3A_115 = vector.broadcast %parallel_loop3A_114 : i32 to vector<16xi32>
      %parallel_loop3A_116 = arith.constant 14 : i32
      %parallel_loop3A_117 = vector.broadcast %parallel_loop3A_116 : i32 to vector<16xi32>
      %parallel_loop3A_118 = arith.constant 15 : i32
      %parallel_loop3A_119 = vector.broadcast %parallel_loop3A_118 : i32 to vector<16xi32>
      %parallel_loop3A_120 = arith.cmpf ogt, %parallel_loop3A_45, %parallel_loop3A_42 : vector<16xf32>
      %parallel_loop3A_121 = arith.select %parallel_loop3A_120, %parallel_loop3A_45, %parallel_loop3A_42 : vector<16xi1>, vector<16xf32>
      %parallel_loop3A_122 = arith.select %parallel_loop3A_120, %parallel_loop3A_91, %parallel_loop3A_89 : vector<16xi1>, vector<16xi32>
      %parallel_loop3A_123 = arith.cmpf ogt, %parallel_loop3A_51, %parallel_loop3A_48 : vector<16xf32>
      %parallel_loop3A_124 = arith.select %parallel_loop3A_123, %parallel_loop3A_51, %parallel_loop3A_48 : vector<16xi1>, vector<16xf32>
      %parallel_loop3A_125 = arith.select %parallel_loop3A_123, %parallel_loop3A_95, %parallel_loop3A_93 : vector<16xi1>, vector<16xi32>
      %parallel_loop3A_126 = arith.cmpf ogt, %parallel_loop3A_57, %parallel_loop3A_54 : vector<16xf32>
      %parallel_loop3A_127 = arith.select %parallel_loop3A_126, %parallel_loop3A_57, %parallel_loop3A_54 : vector<16xi1>, vector<16xf32>
      %parallel_loop3A_128 = arith.select %parallel_loop3A_126, %parallel_loop3A_99, %parallel_loop3A_97 : vector<16xi1>, vector<16xi32>
      %parallel_loop3A_129 = arith.cmpf ogt, %parallel_loop3A_63, %parallel_loop3A_60 : vector<16xf32>
      %parallel_loop3A_130 = arith.select %parallel_loop3A_129, %parallel_loop3A_63, %parallel_loop3A_60 : vector<16xi1>, vector<16xf32>
      %parallel_loop3A_131 = arith.select %parallel_loop3A_129, %parallel_loop3A_103, %parallel_loop3A_101 : vector<16xi1>, vector<16xi32>
      %parallel_loop3A_132 = arith.cmpf ogt, %parallel_loop3A_69, %parallel_loop3A_66 : vector<16xf32>
      %parallel_loop3A_133 = arith.select %parallel_loop3A_132, %parallel_loop3A_69, %parallel_loop3A_66 : vector<16xi1>, vector<16xf32>
      %parallel_loop3A_134 = arith.select %parallel_loop3A_132, %parallel_loop3A_107, %parallel_loop3A_105 : vector<16xi1>, vector<16xi32>
      %parallel_loop3A_135 = arith.cmpf ogt, %parallel_loop3A_75, %parallel_loop3A_72 : vector<16xf32>
      %parallel_loop3A_136 = arith.select %parallel_loop3A_135, %parallel_loop3A_75, %parallel_loop3A_72 : vector<16xi1>, vector<16xf32>
      %parallel_loop3A_137 = arith.select %parallel_loop3A_135, %parallel_loop3A_111, %parallel_loop3A_109 : vector<16xi1>, vector<16xi32>
      %parallel_loop3A_138 = arith.cmpf ogt, %parallel_loop3A_81, %parallel_loop3A_78 : vector<16xf32>
      %parallel_loop3A_139 = arith.select %parallel_loop3A_138, %parallel_loop3A_81, %parallel_loop3A_78 : vector<16xi1>, vector<16xf32>
      %parallel_loop3A_140 = arith.select %parallel_loop3A_138, %parallel_loop3A_115, %parallel_loop3A_113 : vector<16xi1>, vector<16xi32>
      %parallel_loop3A_141 = arith.cmpf ogt, %parallel_loop3A_87, %parallel_loop3A_84 : vector<16xf32>
      %parallel_loop3A_142 = arith.select %parallel_loop3A_141, %parallel_loop3A_87, %parallel_loop3A_84 : vector<16xi1>, vector<16xf32>
      %parallel_loop3A_143 = arith.select %parallel_loop3A_141, %parallel_loop3A_119, %parallel_loop3A_117 : vector<16xi1>, vector<16xi32>
      %parallel_loop3A_144 = arith.cmpf ogt, %parallel_loop3A_124, %parallel_loop3A_121 : vector<16xf32>
      %parallel_loop3A_145 = arith.select %parallel_loop3A_144, %parallel_loop3A_124, %parallel_loop3A_121 : vector<16xi1>, vector<16xf32>
      %parallel_loop3A_146 = arith.select %parallel_loop3A_144, %parallel_loop3A_125, %parallel_loop3A_122 : vector<16xi1>, vector<16xi32>
      %parallel_loop3A_147 = arith.cmpf ogt, %parallel_loop3A_130, %parallel_loop3A_127 : vector<16xf32>
      %parallel_loop3A_148 = arith.select %parallel_loop3A_147, %parallel_loop3A_130, %parallel_loop3A_127 : vector<16xi1>, vector<16xf32>
      %parallel_loop3A_149 = arith.select %parallel_loop3A_147, %parallel_loop3A_131, %parallel_loop3A_128 : vector<16xi1>, vector<16xi32>
      %parallel_loop3A_150 = arith.cmpf ogt, %parallel_loop3A_136, %parallel_loop3A_133 : vector<16xf32>
      %parallel_loop3A_151 = arith.select %parallel_loop3A_150, %parallel_loop3A_136, %parallel_loop3A_133 : vector<16xi1>, vector<16xf32>
      %parallel_loop3A_152 = arith.select %parallel_loop3A_150, %parallel_loop3A_137, %parallel_loop3A_134 : vector<16xi1>, vector<16xi32>
      %parallel_loop3A_153 = arith.cmpf ogt, %parallel_loop3A_142, %parallel_loop3A_139 : vector<16xf32>
      %parallel_loop3A_154 = arith.select %parallel_loop3A_153, %parallel_loop3A_142, %parallel_loop3A_139 : vector<16xi1>, vector<16xf32>
      %parallel_loop3A_155 = arith.select %parallel_loop3A_153, %parallel_loop3A_143, %parallel_loop3A_140 : vector<16xi1>, vector<16xi32>
      %parallel_loop3A_156 = arith.cmpf ogt, %parallel_loop3A_148, %parallel_loop3A_145 : vector<16xf32>
      %parallel_loop3A_157 = arith.select %parallel_loop3A_156, %parallel_loop3A_148, %parallel_loop3A_145 : vector<16xi1>, vector<16xf32>
      %parallel_loop3A_158 = arith.select %parallel_loop3A_156, %parallel_loop3A_149, %parallel_loop3A_146 : vector<16xi1>, vector<16xi32>
      %parallel_loop3A_159 = arith.cmpf ogt, %parallel_loop3A_154, %parallel_loop3A_151 : vector<16xf32>
      %parallel_loop3A_160 = arith.select %parallel_loop3A_159, %parallel_loop3A_154, %parallel_loop3A_151 : vector<16xi1>, vector<16xf32>
      %parallel_loop3A_161 = arith.select %parallel_loop3A_159, %parallel_loop3A_155, %parallel_loop3A_152 : vector<16xi1>, vector<16xi32>
      %parallel_loop3A_162 = arith.cmpf ogt, %parallel_loop3A_160, %parallel_loop3A_157 : vector<16xf32>
      %parallel_loop3A_163 = arith.select %parallel_loop3A_162, %parallel_loop3A_160, %parallel_loop3A_157 : vector<16xi1>, vector<16xf32>
      %parallel_loop3A_164 = arith.select %parallel_loop3A_162, %parallel_loop3A_161, %parallel_loop3A_158 : vector<16xi1>, vector<16xi32>
      %parallel_loop3A_165 = arith.constant 19 : i32
      %parallel_loop3A_166 = vector.broadcast %parallel_loop3A_165 : i32 to vector<16xi32>
      %parallel_loop3A_167 = tpu.vector_load_idx %arg4[%parallel_loop3A_39, %parallel_loop3A_166] : memref<512x96xf32, #tpu.memory_space<vmem>>[vector<16xi32>, vector<16xi32>], vector<16xf32>,
      %parallel_loop3A_168 = arith.constant 20 : i32
      %parallel_loop3A_169 = vector.broadcast %parallel_loop3A_168 : i32 to vector<16xi32>
      %parallel_loop3A_170 = tpu.vector_load_idx %arg4[%parallel_loop3A_39, %parallel_loop3A_169] : memref<512x96xf32, #tpu.memory_space<vmem>>[vector<16xi32>, vector<16xi32>], vector<16xf32>,
      %parallel_loop3A_171 = arith.constant 21 : i32
      %parallel_loop3A_172 = vector.broadcast %parallel_loop3A_171 : i32 to vector<16xi32>
      %parallel_loop3A_173 = tpu.vector_load_idx %arg4[%parallel_loop3A_39, %parallel_loop3A_172] : memref<512x96xf32, #tpu.memory_space<vmem>>[vector<16xi32>, vector<16xi32>], vector<16xf32>,
      %parallel_loop3A_174 = arith.constant 22 : i32
      %parallel_loop3A_175 = vector.broadcast %parallel_loop3A_174 : i32 to vector<16xi32>
      %parallel_loop3A_176 = tpu.vector_load_idx %arg4[%parallel_loop3A_39, %parallel_loop3A_175] : memref<512x96xf32, #tpu.memory_space<vmem>>[vector<16xi32>, vector<16xi32>], vector<16xf32>,
      %parallel_loop3A_177 = arith.constant 23 : i32
      %parallel_loop3A_178 = vector.broadcast %parallel_loop3A_177 : i32 to vector<16xi32>
      %parallel_loop3A_179 = tpu.vector_load_idx %arg4[%parallel_loop3A_39, %parallel_loop3A_178] : memref<512x96xf32, #tpu.memory_space<vmem>>[vector<16xi32>, vector<16xi32>], vector<16xf32>,
      %parallel_loop3A_180 = arith.constant 24 : i32
      %parallel_loop3A_181 = vector.broadcast %parallel_loop3A_180 : i32 to vector<16xi32>
      %parallel_loop3A_182 = tpu.vector_load_idx %arg4[%parallel_loop3A_39, %parallel_loop3A_181] : memref<512x96xf32, #tpu.memory_space<vmem>>[vector<16xi32>, vector<16xi32>], vector<16xf32>,
      %parallel_loop3A_183 = arith.constant 25 : i32
      %parallel_loop3A_184 = vector.broadcast %parallel_loop3A_183 : i32 to vector<16xi32>
      %parallel_loop3A_185 = tpu.vector_load_idx %arg4[%parallel_loop3A_39, %parallel_loop3A_184] : memref<512x96xf32, #tpu.memory_space<vmem>>[vector<16xi32>, vector<16xi32>], vector<16xf32>,
      %parallel_loop3A_186 = arith.constant 26 : i32
      %parallel_loop3A_187 = vector.broadcast %parallel_loop3A_186 : i32 to vector<16xi32>
      %parallel_loop3A_188 = tpu.vector_load_idx %arg4[%parallel_loop3A_39, %parallel_loop3A_187] : memref<512x96xf32, #tpu.memory_space<vmem>>[vector<16xi32>, vector<16xi32>], vector<16xf32>,
      %parallel_loop3A_189 = arith.constant 27 : i32
      %parallel_loop3A_190 = vector.broadcast %parallel_loop3A_189 : i32 to vector<16xi32>
      %parallel_loop3A_191 = tpu.vector_load_idx %arg4[%parallel_loop3A_39, %parallel_loop3A_190] : memref<512x96xf32, #tpu.memory_space<vmem>>[vector<16xi32>, vector<16xi32>], vector<16xf32>,
      %parallel_loop3A_192 = arith.constant 28 : i32
      %parallel_loop3A_193 = vector.broadcast %parallel_loop3A_192 : i32 to vector<16xi32>
      %parallel_loop3A_194 = tpu.vector_load_idx %arg4[%parallel_loop3A_39, %parallel_loop3A_193] : memref<512x96xf32, #tpu.memory_space<vmem>>[vector<16xi32>, vector<16xi32>], vector<16xf32>,
      %parallel_loop3A_195 = arith.constant 29 : i32
      %parallel_loop3A_196 = vector.broadcast %parallel_loop3A_195 : i32 to vector<16xi32>
      %parallel_loop3A_197 = tpu.vector_load_idx %arg4[%parallel_loop3A_39, %parallel_loop3A_196] : memref<512x96xf32, #tpu.memory_space<vmem>>[vector<16xi32>, vector<16xi32>], vector<16xf32>,
      %parallel_loop3A_198 = arith.constant 30 : i32
      %parallel_loop3A_199 = vector.broadcast %parallel_loop3A_198 : i32 to vector<16xi32>
      %parallel_loop3A_200 = tpu.vector_load_idx %arg4[%parallel_loop3A_39, %parallel_loop3A_199] : memref<512x96xf32, #tpu.memory_space<vmem>>[vector<16xi32>, vector<16xi32>], vector<16xf32>,
      %parallel_loop3A_201 = arith.constant 31 : i32
      %parallel_loop3A_202 = vector.broadcast %parallel_loop3A_201 : i32 to vector<16xi32>
      %parallel_loop3A_203 = tpu.vector_load_idx %arg4[%parallel_loop3A_39, %parallel_loop3A_202] : memref<512x96xf32, #tpu.memory_space<vmem>>[vector<16xi32>, vector<16xi32>], vector<16xf32>,
      %parallel_loop3A_204 = arith.constant 32 : i32
      %parallel_loop3A_205 = vector.broadcast %parallel_loop3A_204 : i32 to vector<16xi32>
      %parallel_loop3A_206 = tpu.vector_load_idx %arg4[%parallel_loop3A_39, %parallel_loop3A_205] : memref<512x96xf32, #tpu.memory_space<vmem>>[vector<16xi32>, vector<16xi32>], vector<16xf32>,
      %parallel_loop3A_207 = arith.constant 33 : i32
      %parallel_loop3A_208 = vector.broadcast %parallel_loop3A_207 : i32 to vector<16xi32>
      %parallel_loop3A_209 = tpu.vector_load_idx %arg4[%parallel_loop3A_39, %parallel_loop3A_208] : memref<512x96xf32, #tpu.memory_space<vmem>>[vector<16xi32>, vector<16xi32>], vector<16xf32>,
      %parallel_loop3A_210 = arith.constant 34 : i32
      %parallel_loop3A_211 = vector.broadcast %parallel_loop3A_210 : i32 to vector<16xi32>
      %parallel_loop3A_212 = tpu.vector_load_idx %arg4[%parallel_loop3A_39, %parallel_loop3A_211] : memref<512x96xf32, #tpu.memory_space<vmem>>[vector<16xi32>, vector<16xi32>], vector<16xf32>,
      %parallel_loop3A_213 = arith.constant 0 : i32
      %parallel_loop3A_214 = vector.broadcast %parallel_loop3A_213 : i32 to vector<16xi32>
      %parallel_loop3A_215 = arith.constant 1 : i32
      %parallel_loop3A_216 = vector.broadcast %parallel_loop3A_215 : i32 to vector<16xi32>
      %parallel_loop3A_217 = arith.constant 2 : i32
      %parallel_loop3A_218 = vector.broadcast %parallel_loop3A_217 : i32 to vector<16xi32>
      %parallel_loop3A_219 = arith.constant 3 : i32
      %parallel_loop3A_220 = vector.broadcast %parallel_loop3A_219 : i32 to vector<16xi32>
      %parallel_loop3A_221 = arith.constant 4 : i32
      %parallel_loop3A_222 = vector.broadcast %parallel_loop3A_221 : i32 to vector<16xi32>
      %parallel_loop3A_223 = arith.constant 5 : i32
      %parallel_loop3A_224 = vector.broadcast %parallel_loop3A_223 : i32 to vector<16xi32>
      %parallel_loop3A_225 = arith.constant 6 : i32
      %parallel_loop3A_226 = vector.broadcast %parallel_loop3A_225 : i32 to vector<16xi32>
      %parallel_loop3A_227 = arith.constant 7 : i32
      %parallel_loop3A_228 = vector.broadcast %parallel_loop3A_227 : i32 to vector<16xi32>
      %parallel_loop3A_229 = arith.constant 8 : i32
      %parallel_loop3A_230 = vector.broadcast %parallel_loop3A_229 : i32 to vector<16xi32>
      %parallel_loop3A_231 = arith.constant 9 : i32
      %parallel_loop3A_232 = vector.broadcast %parallel_loop3A_231 : i32 to vector<16xi32>
      %parallel_loop3A_233 = arith.constant 10 : i32
      %parallel_loop3A_234 = vector.broadcast %parallel_loop3A_233 : i32 to vector<16xi32>
      %parallel_loop3A_235 = arith.constant 11 : i32
      %parallel_loop3A_236 = vector.broadcast %parallel_loop3A_235 : i32 to vector<16xi32>
      %parallel_loop3A_237 = arith.constant 12 : i32
      %parallel_loop3A_238 = vector.broadcast %parallel_loop3A_237 : i32 to vector<16xi32>
      %parallel_loop3A_239 = arith.constant 13 : i32
      %parallel_loop3A_240 = vector.broadcast %parallel_loop3A_239 : i32 to vector<16xi32>
      %parallel_loop3A_241 = arith.constant 14 : i32
      %parallel_loop3A_242 = vector.broadcast %parallel_loop3A_241 : i32 to vector<16xi32>
      %parallel_loop3A_243 = arith.constant 15 : i32
      %parallel_loop3A_244 = vector.broadcast %parallel_loop3A_243 : i32 to vector<16xi32>
      %parallel_loop3A_245 = arith.cmpf ogt, %parallel_loop3A_170, %parallel_loop3A_167 : vector<16xf32>
      %parallel_loop3A_246 = arith.select %parallel_loop3A_245, %parallel_loop3A_170, %parallel_loop3A_167 : vector<16xi1>, vector<16xf32>
      %parallel_loop3A_247 = arith.select %parallel_loop3A_245, %parallel_loop3A_216, %parallel_loop3A_214 : vector<16xi1>, vector<16xi32>
      %parallel_loop3A_248 = arith.cmpf ogt, %parallel_loop3A_176, %parallel_loop3A_173 : vector<16xf32>
      %parallel_loop3A_249 = arith.select %parallel_loop3A_248, %parallel_loop3A_176, %parallel_loop3A_173 : vector<16xi1>, vector<16xf32>
      %parallel_loop3A_250 = arith.select %parallel_loop3A_248, %parallel_loop3A_220, %parallel_loop3A_218 : vector<16xi1>, vector<16xi32>
      %parallel_loop3A_251 = arith.cmpf ogt, %parallel_loop3A_182, %parallel_loop3A_179 : vector<16xf32>
      %parallel_loop3A_252 = arith.select %parallel_loop3A_251, %parallel_loop3A_182, %parallel_loop3A_179 : vector<16xi1>, vector<16xf32>
      %parallel_loop3A_253 = arith.select %parallel_loop3A_251, %parallel_loop3A_224, %parallel_loop3A_222 : vector<16xi1>, vector<16xi32>
      %parallel_loop3A_254 = arith.cmpf ogt, %parallel_loop3A_188, %parallel_loop3A_185 : vector<16xf32>
      %parallel_loop3A_255 = arith.select %parallel_loop3A_254, %parallel_loop3A_188, %parallel_loop3A_185 : vector<16xi1>, vector<16xf32>
      %parallel_loop3A_256 = arith.select %parallel_loop3A_254, %parallel_loop3A_228, %parallel_loop3A_226 : vector<16xi1>, vector<16xi32>
      %parallel_loop3A_257 = arith.cmpf ogt, %parallel_loop3A_194, %parallel_loop3A_191 : vector<16xf32>
      %parallel_loop3A_258 = arith.select %parallel_loop3A_257, %parallel_loop3A_194, %parallel_loop3A_191 : vector<16xi1>, vector<16xf32>
      %parallel_loop3A_259 = arith.select %parallel_loop3A_257, %parallel_loop3A_232, %parallel_loop3A_230 : vector<16xi1>, vector<16xi32>
      %parallel_loop3A_260 = arith.cmpf ogt, %parallel_loop3A_200, %parallel_loop3A_197 : vector<16xf32>
      %parallel_loop3A_261 = arith.select %parallel_loop3A_260, %parallel_loop3A_200, %parallel_loop3A_197 : vector<16xi1>, vector<16xf32>
      %parallel_loop3A_262 = arith.select %parallel_loop3A_260, %parallel_loop3A_236, %parallel_loop3A_234 : vector<16xi1>, vector<16xi32>
      %parallel_loop3A_263 = arith.cmpf ogt, %parallel_loop3A_206, %parallel_loop3A_203 : vector<16xf32>
      %parallel_loop3A_264 = arith.select %parallel_loop3A_263, %parallel_loop3A_206, %parallel_loop3A_203 : vector<16xi1>, vector<16xf32>
      %parallel_loop3A_265 = arith.select %parallel_loop3A_263, %parallel_loop3A_240, %parallel_loop3A_238 : vector<16xi1>, vector<16xi32>
      %parallel_loop3A_266 = arith.cmpf ogt, %parallel_loop3A_212, %parallel_loop3A_209 : vector<16xf32>
      %parallel_loop3A_267 = arith.select %parallel_loop3A_266, %parallel_loop3A_212, %parallel_loop3A_209 : vector<16xi1>, vector<16xf32>
      %parallel_loop3A_268 = arith.select %parallel_loop3A_266, %parallel_loop3A_244, %parallel_loop3A_242 : vector<16xi1>, vector<16xi32>
      %parallel_loop3A_269 = arith.cmpf ogt, %parallel_loop3A_249, %parallel_loop3A_246 : vector<16xf32>
      %parallel_loop3A_270 = arith.select %parallel_loop3A_269, %parallel_loop3A_249, %parallel_loop3A_246 : vector<16xi1>, vector<16xf32>
      %parallel_loop3A_271 = arith.select %parallel_loop3A_269, %parallel_loop3A_250, %parallel_loop3A_247 : vector<16xi1>, vector<16xi32>
      %parallel_loop3A_272 = arith.cmpf ogt, %parallel_loop3A_255, %parallel_loop3A_252 : vector<16xf32>
      %parallel_loop3A_273 = arith.select %parallel_loop3A_272, %parallel_loop3A_255, %parallel_loop3A_252 : vector<16xi1>, vector<16xf32>
      %parallel_loop3A_274 = arith.select %parallel_loop3A_272, %parallel_loop3A_256, %parallel_loop3A_253 : vector<16xi1>, vector<16xi32>
      %parallel_loop3A_275 = arith.cmpf ogt, %parallel_loop3A_261, %parallel_loop3A_258 : vector<16xf32>
      %parallel_loop3A_276 = arith.select %parallel_loop3A_275, %parallel_loop3A_261, %parallel_loop3A_258 : vector<16xi1>, vector<16xf32>
      %parallel_loop3A_277 = arith.select %parallel_loop3A_275, %parallel_loop3A_262, %parallel_loop3A_259 : vector<16xi1>, vector<16xi32>
      %parallel_loop3A_278 = arith.cmpf ogt, %parallel_loop3A_267, %parallel_loop3A_264 : vector<16xf32>
      %parallel_loop3A_279 = arith.select %parallel_loop3A_278, %parallel_loop3A_267, %parallel_loop3A_264 : vector<16xi1>, vector<16xf32>
      %parallel_loop3A_280 = arith.select %parallel_loop3A_278, %parallel_loop3A_268, %parallel_loop3A_265 : vector<16xi1>, vector<16xi32>
      %parallel_loop3A_281 = arith.cmpf ogt, %parallel_loop3A_273, %parallel_loop3A_270 : vector<16xf32>
      %parallel_loop3A_282 = arith.select %parallel_loop3A_281, %parallel_loop3A_273, %parallel_loop3A_270 : vector<16xi1>, vector<16xf32>
      %parallel_loop3A_283 = arith.select %parallel_loop3A_281, %parallel_loop3A_274, %parallel_loop3A_271 : vector<16xi1>, vector<16xi32>
      %parallel_loop3A_284 = arith.cmpf ogt, %parallel_loop3A_279, %parallel_loop3A_276 : vector<16xf32>
      %parallel_loop3A_285 = arith.select %parallel_loop3A_284, %parallel_loop3A_279, %parallel_loop3A_276 : vector<16xi1>, vector<16xf32>
      %parallel_loop3A_286 = arith.select %parallel_loop3A_284, %parallel_loop3A_280, %parallel_loop3A_277 : vector<16xi1>, vector<16xi32>
      %parallel_loop3A_287 = arith.cmpf ogt, %parallel_loop3A_285, %parallel_loop3A_282 : vector<16xf32>
      %parallel_loop3A_288 = arith.select %parallel_loop3A_287, %parallel_loop3A_285, %parallel_loop3A_282 : vector<16xi1>, vector<16xf32>
      %parallel_loop3A_289 = arith.select %parallel_loop3A_287, %parallel_loop3A_286, %parallel_loop3A_283 : vector<16xi1>, vector<16xi32>
      %parallel_loop3A_290 = arith.constant 35 : i32
      %parallel_loop3A_291 = vector.broadcast %parallel_loop3A_290 : i32 to vector<16xi32>
      %parallel_loop3A_292 = tpu.vector_load_idx %arg4[%parallel_loop3A_39, %parallel_loop3A_291] : memref<512x96xf32, #tpu.memory_space<vmem>>[vector<16xi32>, vector<16xi32>], vector<16xf32>,
      %parallel_loop3A_293 = arith.constant 36 : i32
      %parallel_loop3A_294 = vector.broadcast %parallel_loop3A_293 : i32 to vector<16xi32>
      %parallel_loop3A_295 = tpu.vector_load_idx %arg4[%parallel_loop3A_39, %parallel_loop3A_294] : memref<512x96xf32, #tpu.memory_space<vmem>>[vector<16xi32>, vector<16xi32>], vector<16xf32>,
      %parallel_loop3A_296 = arith.constant 37 : i32
      %parallel_loop3A_297 = vector.broadcast %parallel_loop3A_296 : i32 to vector<16xi32>
      %parallel_loop3A_298 = tpu.vector_load_idx %arg4[%parallel_loop3A_39, %parallel_loop3A_297] : memref<512x96xf32, #tpu.memory_space<vmem>>[vector<16xi32>, vector<16xi32>], vector<16xf32>,
      %parallel_loop3A_299 = arith.constant 38 : i32
      %parallel_loop3A_300 = vector.broadcast %parallel_loop3A_299 : i32 to vector<16xi32>
      %parallel_loop3A_301 = tpu.vector_load_idx %arg4[%parallel_loop3A_39, %parallel_loop3A_300] : memref<512x96xf32, #tpu.memory_space<vmem>>[vector<16xi32>, vector<16xi32>], vector<16xf32>,
      %parallel_loop3A_302 = arith.constant 39 : i32
      %parallel_loop3A_303 = vector.broadcast %parallel_loop3A_302 : i32 to vector<16xi32>
      %parallel_loop3A_304 = tpu.vector_load_idx %arg4[%parallel_loop3A_39, %parallel_loop3A_303] : memref<512x96xf32, #tpu.memory_space<vmem>>[vector<16xi32>, vector<16xi32>], vector<16xf32>,
      %parallel_loop3A_305 = arith.constant 40 : i32
      %parallel_loop3A_306 = vector.broadcast %parallel_loop3A_305 : i32 to vector<16xi32>
      %parallel_loop3A_307 = tpu.vector_load_idx %arg4[%parallel_loop3A_39, %parallel_loop3A_306] : memref<512x96xf32, #tpu.memory_space<vmem>>[vector<16xi32>, vector<16xi32>], vector<16xf32>,
      %parallel_loop3A_308 = arith.constant 41 : i32
      %parallel_loop3A_309 = vector.broadcast %parallel_loop3A_308 : i32 to vector<16xi32>
      %parallel_loop3A_310 = tpu.vector_load_idx %arg4[%parallel_loop3A_39, %parallel_loop3A_309] : memref<512x96xf32, #tpu.memory_space<vmem>>[vector<16xi32>, vector<16xi32>], vector<16xf32>,
      %parallel_loop3A_311 = arith.constant 42 : i32
      %parallel_loop3A_312 = vector.broadcast %parallel_loop3A_311 : i32 to vector<16xi32>
      %parallel_loop3A_313 = tpu.vector_load_idx %arg4[%parallel_loop3A_39, %parallel_loop3A_312] : memref<512x96xf32, #tpu.memory_space<vmem>>[vector<16xi32>, vector<16xi32>], vector<16xf32>,
      %parallel_loop3A_314 = arith.constant 43 : i32
      %parallel_loop3A_315 = vector.broadcast %parallel_loop3A_314 : i32 to vector<16xi32>
      %parallel_loop3A_316 = tpu.vector_load_idx %arg4[%parallel_loop3A_39, %parallel_loop3A_315] : memref<512x96xf32, #tpu.memory_space<vmem>>[vector<16xi32>, vector<16xi32>], vector<16xf32>,
      %parallel_loop3A_317 = arith.constant 44 : i32
      %parallel_loop3A_318 = vector.broadcast %parallel_loop3A_317 : i32 to vector<16xi32>
      %parallel_loop3A_319 = tpu.vector_load_idx %arg4[%parallel_loop3A_39, %parallel_loop3A_318] : memref<512x96xf32, #tpu.memory_space<vmem>>[vector<16xi32>, vector<16xi32>], vector<16xf32>,
      %parallel_loop3A_320 = arith.constant 45 : i32
      %parallel_loop3A_321 = vector.broadcast %parallel_loop3A_320 : i32 to vector<16xi32>
      %parallel_loop3A_322 = tpu.vector_load_idx %arg4[%parallel_loop3A_39, %parallel_loop3A_321] : memref<512x96xf32, #tpu.memory_space<vmem>>[vector<16xi32>, vector<16xi32>], vector<16xf32>,
      %parallel_loop3A_323 = arith.constant 46 : i32
      %parallel_loop3A_324 = vector.broadcast %parallel_loop3A_323 : i32 to vector<16xi32>
      %parallel_loop3A_325 = tpu.vector_load_idx %arg4[%parallel_loop3A_39, %parallel_loop3A_324] : memref<512x96xf32, #tpu.memory_space<vmem>>[vector<16xi32>, vector<16xi32>], vector<16xf32>,
      %parallel_loop3A_326 = arith.constant 47 : i32
      %parallel_loop3A_327 = vector.broadcast %parallel_loop3A_326 : i32 to vector<16xi32>
      %parallel_loop3A_328 = tpu.vector_load_idx %arg4[%parallel_loop3A_39, %parallel_loop3A_327] : memref<512x96xf32, #tpu.memory_space<vmem>>[vector<16xi32>, vector<16xi32>], vector<16xf32>,
      %parallel_loop3A_329 = arith.constant 48 : i32
      %parallel_loop3A_330 = vector.broadcast %parallel_loop3A_329 : i32 to vector<16xi32>
      %parallel_loop3A_331 = tpu.vector_load_idx %arg4[%parallel_loop3A_39, %parallel_loop3A_330] : memref<512x96xf32, #tpu.memory_space<vmem>>[vector<16xi32>, vector<16xi32>], vector<16xf32>,
      %parallel_loop3A_332 = arith.constant 49 : i32
      %parallel_loop3A_333 = vector.broadcast %parallel_loop3A_332 : i32 to vector<16xi32>
      %parallel_loop3A_334 = tpu.vector_load_idx %arg4[%parallel_loop3A_39, %parallel_loop3A_333] : memref<512x96xf32, #tpu.memory_space<vmem>>[vector<16xi32>, vector<16xi32>], vector<16xf32>,
      %parallel_loop3A_335 = arith.constant 50 : i32
      %parallel_loop3A_336 = vector.broadcast %parallel_loop3A_335 : i32 to vector<16xi32>
      %parallel_loop3A_337 = tpu.vector_load_idx %arg4[%parallel_loop3A_39, %parallel_loop3A_336] : memref<512x96xf32, #tpu.memory_space<vmem>>[vector<16xi32>, vector<16xi32>], vector<16xf32>,
      %parallel_loop3A_338 = arith.constant 0 : i32
      %parallel_loop3A_339 = vector.broadcast %parallel_loop3A_338 : i32 to vector<16xi32>
      %parallel_loop3A_340 = arith.constant 1 : i32
      %parallel_loop3A_341 = vector.broadcast %parallel_loop3A_340 : i32 to vector<16xi32>
      %parallel_loop3A_342 = arith.constant 2 : i32
      %parallel_loop3A_343 = vector.broadcast %parallel_loop3A_342 : i32 to vector<16xi32>
      %parallel_loop3A_344 = arith.constant 3 : i32
      %parallel_loop3A_345 = vector.broadcast %parallel_loop3A_344 : i32 to vector<16xi32>
      %parallel_loop3A_346 = arith.constant 4 : i32
      %parallel_loop3A_347 = vector.broadcast %parallel_loop3A_346 : i32 to vector<16xi32>
      %parallel_loop3A_348 = arith.constant 5 : i32
      %parallel_loop3A_349 = vector.broadcast %parallel_loop3A_348 : i32 to vector<16xi32>
      %parallel_loop3A_350 = arith.constant 6 : i32
      %parallel_loop3A_351 = vector.broadcast %parallel_loop3A_350 : i32 to vector<16xi32>
      %parallel_loop3A_352 = arith.constant 7 : i32
      %parallel_loop3A_353 = vector.broadcast %parallel_loop3A_352 : i32 to vector<16xi32>
      %parallel_loop3A_354 = arith.constant 8 : i32
      %parallel_loop3A_355 = vector.broadcast %parallel_loop3A_354 : i32 to vector<16xi32>
      %parallel_loop3A_356 = arith.constant 9 : i32
      %parallel_loop3A_357 = vector.broadcast %parallel_loop3A_356 : i32 to vector<16xi32>
      %parallel_loop3A_358 = arith.constant 10 : i32
      %parallel_loop3A_359 = vector.broadcast %parallel_loop3A_358 : i32 to vector<16xi32>
      %parallel_loop3A_360 = arith.constant 11 : i32
      %parallel_loop3A_361 = vector.broadcast %parallel_loop3A_360 : i32 to vector<16xi32>
      %parallel_loop3A_362 = arith.constant 12 : i32
      %parallel_loop3A_363 = vector.broadcast %parallel_loop3A_362 : i32 to vector<16xi32>
      %parallel_loop3A_364 = arith.constant 13 : i32
      %parallel_loop3A_365 = vector.broadcast %parallel_loop3A_364 : i32 to vector<16xi32>
      %parallel_loop3A_366 = arith.constant 14 : i32
      %parallel_loop3A_367 = vector.broadcast %parallel_loop3A_366 : i32 to vector<16xi32>
      %parallel_loop3A_368 = arith.constant 15 : i32
      %parallel_loop3A_369 = vector.broadcast %parallel_loop3A_368 : i32 to vector<16xi32>
      %parallel_loop3A_370 = arith.cmpf ogt, %parallel_loop3A_295, %parallel_loop3A_292 : vector<16xf32>
      %parallel_loop3A_371 = arith.select %parallel_loop3A_370, %parallel_loop3A_295, %parallel_loop3A_292 : vector<16xi1>, vector<16xf32>
      %parallel_loop3A_372 = arith.select %parallel_loop3A_370, %parallel_loop3A_341, %parallel_loop3A_339 : vector<16xi1>, vector<16xi32>
      %parallel_loop3A_373 = arith.cmpf ogt, %parallel_loop3A_301, %parallel_loop3A_298 : vector<16xf32>
      %parallel_loop3A_374 = arith.select %parallel_loop3A_373, %parallel_loop3A_301, %parallel_loop3A_298 : vector<16xi1>, vector<16xf32>
      %parallel_loop3A_375 = arith.select %parallel_loop3A_373, %parallel_loop3A_345, %parallel_loop3A_343 : vector<16xi1>, vector<16xi32>
      %parallel_loop3A_376 = arith.cmpf ogt, %parallel_loop3A_307, %parallel_loop3A_304 : vector<16xf32>
      %parallel_loop3A_377 = arith.select %parallel_loop3A_376, %parallel_loop3A_307, %parallel_loop3A_304 : vector<16xi1>, vector<16xf32>
      %parallel_loop3A_378 = arith.select %parallel_loop3A_376, %parallel_loop3A_349, %parallel_loop3A_347 : vector<16xi1>, vector<16xi32>
      %parallel_loop3A_379 = arith.cmpf ogt, %parallel_loop3A_313, %parallel_loop3A_310 : vector<16xf32>
      %parallel_loop3A_380 = arith.select %parallel_loop3A_379, %parallel_loop3A_313, %parallel_loop3A_310 : vector<16xi1>, vector<16xf32>
      %parallel_loop3A_381 = arith.select %parallel_loop3A_379, %parallel_loop3A_353, %parallel_loop3A_351 : vector<16xi1>, vector<16xi32>
      %parallel_loop3A_382 = arith.cmpf ogt, %parallel_loop3A_319, %parallel_loop3A_316 : vector<16xf32>
      %parallel_loop3A_383 = arith.select %parallel_loop3A_382, %parallel_loop3A_319, %parallel_loop3A_316 : vector<16xi1>, vector<16xf32>
      %parallel_loop3A_384 = arith.select %parallel_loop3A_382, %parallel_loop3A_357, %parallel_loop3A_355 : vector<16xi1>, vector<16xi32>
      %parallel_loop3A_385 = arith.cmpf ogt, %parallel_loop3A_325, %parallel_loop3A_322 : vector<16xf32>
      %parallel_loop3A_386 = arith.select %parallel_loop3A_385, %parallel_loop3A_325, %parallel_loop3A_322 : vector<16xi1>, vector<16xf32>
      %parallel_loop3A_387 = arith.select %parallel_loop3A_385, %parallel_loop3A_361, %parallel_loop3A_359 : vector<16xi1>, vector<16xi32>
      %parallel_loop3A_388 = arith.cmpf ogt, %parallel_loop3A_331, %parallel_loop3A_328 : vector<16xf32>
      %parallel_loop3A_389 = arith.select %parallel_loop3A_388, %parallel_loop3A_331, %parallel_loop3A_328 : vector<16xi1>, vector<16xf32>
      %parallel_loop3A_390 = arith.select %parallel_loop3A_388, %parallel_loop3A_365, %parallel_loop3A_363 : vector<16xi1>, vector<16xi32>
      %parallel_loop3A_391 = arith.cmpf ogt, %parallel_loop3A_337, %parallel_loop3A_334 : vector<16xf32>
      %parallel_loop3A_392 = arith.select %parallel_loop3A_391, %parallel_loop3A_337, %parallel_loop3A_334 : vector<16xi1>, vector<16xf32>
      %parallel_loop3A_393 = arith.select %parallel_loop3A_391, %parallel_loop3A_369, %parallel_loop3A_367 : vector<16xi1>, vector<16xi32>
      %parallel_loop3A_394 = arith.cmpf ogt, %parallel_loop3A_374, %parallel_loop3A_371 : vector<16xf32>
      %parallel_loop3A_395 = arith.select %parallel_loop3A_394, %parallel_loop3A_374, %parallel_loop3A_371 : vector<16xi1>, vector<16xf32>
      %parallel_loop3A_396 = arith.select %parallel_loop3A_394, %parallel_loop3A_375, %parallel_loop3A_372 : vector<16xi1>, vector<16xi32>
      %parallel_loop3A_397 = arith.cmpf ogt, %parallel_loop3A_380, %parallel_loop3A_377 : vector<16xf32>
      %parallel_loop3A_398 = arith.select %parallel_loop3A_397, %parallel_loop3A_380, %parallel_loop3A_377 : vector<16xi1>, vector<16xf32>
      %parallel_loop3A_399 = arith.select %parallel_loop3A_397, %parallel_loop3A_381, %parallel_loop3A_378 : vector<16xi1>, vector<16xi32>
      %parallel_loop3A_400 = arith.cmpf ogt, %parallel_loop3A_386, %parallel_loop3A_383 : vector<16xf32>
      %parallel_loop3A_401 = arith.select %parallel_loop3A_400, %parallel_loop3A_386, %parallel_loop3A_383 : vector<16xi1>, vector<16xf32>
      %parallel_loop3A_402 = arith.select %parallel_loop3A_400, %parallel_loop3A_387, %parallel_loop3A_384 : vector<16xi1>, vector<16xi32>
      %parallel_loop3A_403 = arith.cmpf ogt, %parallel_loop3A_392, %parallel_loop3A_389 : vector<16xf32>
      %parallel_loop3A_404 = arith.select %parallel_loop3A_403, %parallel_loop3A_392, %parallel_loop3A_389 : vector<16xi1>, vector<16xf32>
      %parallel_loop3A_405 = arith.select %parallel_loop3A_403, %parallel_loop3A_393, %parallel_loop3A_390 : vector<16xi1>, vector<16xi32>
      %parallel_loop3A_406 = arith.cmpf ogt, %parallel_loop3A_398, %parallel_loop3A_395 : vector<16xf32>
      %parallel_loop3A_407 = arith.select %parallel_loop3A_406, %parallel_loop3A_398, %parallel_loop3A_395 : vector<16xi1>, vector<16xf32>
      %parallel_loop3A_408 = arith.select %parallel_loop3A_406, %parallel_loop3A_399, %parallel_loop3A_396 : vector<16xi1>, vector<16xi32>
      %parallel_loop3A_409 = arith.cmpf ogt, %parallel_loop3A_404, %parallel_loop3A_401 : vector<16xf32>
      %parallel_loop3A_410 = arith.select %parallel_loop3A_409, %parallel_loop3A_404, %parallel_loop3A_401 : vector<16xi1>, vector<16xf32>
      %parallel_loop3A_411 = arith.select %parallel_loop3A_409, %parallel_loop3A_405, %parallel_loop3A_402 : vector<16xi1>, vector<16xi32>
      %parallel_loop3A_412 = arith.cmpf ogt, %parallel_loop3A_410, %parallel_loop3A_407 : vector<16xf32>
      %parallel_loop3A_413 = arith.select %parallel_loop3A_412, %parallel_loop3A_410, %parallel_loop3A_407 : vector<16xi1>, vector<16xf32>
      %parallel_loop3A_414 = arith.select %parallel_loop3A_412, %parallel_loop3A_411, %parallel_loop3A_408 : vector<16xi1>, vector<16xi32>
      %parallel_loop3A_415 = arith.constant 31 : i32
      %parallel_loop3A_416 = vector.broadcast %parallel_loop3A_415 : i32 to vector<16xi32>
      %parallel_loop3A_417 = arith.minsi %parallel_loop3A_414, %parallel_loop3A_416 : vector<16xi32>
      %parallel_loop3A_418 = arith.constant 0 : i32
      %parallel_loop3A_419 = vector.broadcast %parallel_loop3A_418 : i32 to vector<16xi32>
      %parallel_loop3A_420 = tpu.vector_load_idx %arg4[%parallel_loop3A_39, %parallel_loop3A_419] : memref<512x96xf32, #tpu.memory_space<vmem>>[vector<16xi32>, vector<16xi32>], vector<16xf32>,
      %parallel_loop3A_421 = arith.constant 5.000000e-01 : f32
      %parallel_loop3A_422 = vector.broadcast %parallel_loop3A_421 : f32 to vector<16xf32>
      %parallel_loop3A_423 = arith.cmpf oge, %parallel_loop3A_420, %parallel_loop3A_422 : vector<16xf32>
      %parallel_loop3A_424 = arith.constant 1 : i32
      %parallel_loop3A_425 = vector.broadcast %parallel_loop3A_424 : i32 to vector<16xi32>
      %parallel_loop3A_426 = tpu.vector_load_idx %arg4[%parallel_loop3A_39, %parallel_loop3A_425] : memref<512x96xf32, #tpu.memory_space<vmem>>[vector<16xi32>, vector<16xi32>], vector<16xf32>,
      %parallel_loop3A_427 = arith.constant 5.000000e-01 : f32
      %parallel_loop3A_428 = vector.broadcast %parallel_loop3A_427 : f32 to vector<16xf32>
      %parallel_loop3A_429 = arith.cmpf ogt, %parallel_loop3A_426, %parallel_loop3A_428 : vector<16xf32>
      %parallel_loop3A_430 = arith.constant 2 : i32
      %parallel_loop3A_431 = vector.broadcast %parallel_loop3A_430 : i32 to vector<16xi32>
      %parallel_loop3A_432 = tpu.vector_load_idx %arg4[%parallel_loop3A_39, %parallel_loop3A_431] : memref<512x96xf32, #tpu.memory_space<vmem>>[vector<16xi32>, vector<16xi32>], vector<16xf32>,
      %parallel_loop3A_433 = arith.constant 5.000000e-01 : f32
      %parallel_loop3A_434 = vector.broadcast %parallel_loop3A_433 : f32 to vector<16xf32>
      %parallel_loop3A_435 = arith.cmpf ogt, %parallel_loop3A_432, %parallel_loop3A_434 : vector<16xf32>
      %parallel_loop3A_436 = arith.ori %parallel_loop3A_429, %parallel_loop3A_435 : vector<16xi1>
      %parallel_loop3A_437 = arith.andi %parallel_loop3A_423, %parallel_loop3A_436 : vector<16xi1>
      %parallel_loop3A_438 = arith.constant 1 : i32
      %parallel_loop3A_439 = vector.broadcast %parallel_loop3A_438 : i32 to vector<16xi32>
      %parallel_loop3A_440 = tpu.vector_load_idx %arg4[%parallel_loop3A_39, %parallel_loop3A_439] : memref<512x96xf32, #tpu.memory_space<vmem>>[vector<16xi32>, vector<16xi32>], vector<16xf32>,
      %parallel_loop3A_441 = arith.constant 5.000000e-01 : f32
      %parallel_loop3A_442 = vector.broadcast %parallel_loop3A_441 : f32 to vector<16xf32>
      %parallel_loop3A_443 = arith.cmpf ogt, %parallel_loop3A_440, %parallel_loop3A_442 : vector<16xf32>
      %parallel_loop3A_444 = arith.constant 4 : i32
      %parallel_loop3A_445 = vector.broadcast %parallel_loop3A_444 : i32 to vector<16xi32>
      %parallel_loop3A_446 = arith.shli %parallel_loop3A_289, %parallel_loop3A_445 : vector<16xi32>
      %parallel_loop3A_447 = arith.addi %parallel_loop3A_164, %parallel_loop3A_446 : vector<16xi32>
      %parallel_loop3A_448 = arith.shli %parallel_loop3A_447, %parallel_loop3A_417 : vector<16xi32>
      %parallel_loop3A_449 = arith.constant 255 : i32
      %parallel_loop3A_450 = vector.broadcast %parallel_loop3A_449 : i32 to vector<16xi32>
      %parallel_loop3A_451 = arith.andi %parallel_loop3A_448, %parallel_loop3A_450 : vector<16xi32>
      %parallel_loop3A_452 = arith.shrui %parallel_loop3A_447, %parallel_loop3A_417 : vector<16xi32>
      %parallel_loop3A_453 = arith.select %parallel_loop3A_443, %parallel_loop3A_451, %parallel_loop3A_452 : vector<16xi1>, vector<16xi32>
      %parallel_loop3A_454 = arith.constant 2.000000e+00 : f32
      %parallel_loop3A_455 = vector.broadcast %parallel_loop3A_454 : f32 to vector<16xf32>
      %parallel_loop3A_456 = arith.constant 15 : i32
      %parallel_loop3A_457 = vector.broadcast %parallel_loop3A_456 : i32 to vector<16xi32>
      %parallel_loop3A_458 = arith.andi %parallel_loop3A_453, %parallel_loop3A_457 : vector<16xi32>
      %parallel_loop3A_459 = arith.constant 51 : i32
      %parallel_loop3A_460 = vector.broadcast %parallel_loop3A_459 : i32 to vector<16xi32>
      %parallel_loop3A_461 = arith.addi %parallel_loop3A_458, %parallel_loop3A_460 : vector<16xi32>
      tpu.vector_store_idx %arg4[%parallel_loop3A_39, %parallel_loop3A_461], %parallel_loop3A_455 masked %parallel_loop3A_437 {add = true} : memref<512x96xf32, #tpu.memory_space<vmem>>[vector<16xi32>, vector<16xi32>], vector<16xf32>, vector<16xi1>
      %parallel_loop3A_462 = arith.constant 4 : i32
      %parallel_loop3A_463 = vector.broadcast %parallel_loop3A_462 : i32 to vector<16xi32>
      %parallel_loop3A_464 = arith.shrsi %parallel_loop3A_453, %parallel_loop3A_463 : vector<16xi32>
      %parallel_loop3A_465 = arith.constant 67 : i32
      %parallel_loop3A_466 = vector.broadcast %parallel_loop3A_465 : i32 to vector<16xi32>
      %parallel_loop3A_467 = arith.addi %parallel_loop3A_464, %parallel_loop3A_466 : vector<16xi32>
      tpu.vector_store_idx %arg4[%parallel_loop3A_39, %parallel_loop3A_467], %parallel_loop3A_455 masked %parallel_loop3A_437 {add = true} : memref<512x96xf32, #tpu.memory_space<vmem>>[vector<16xi32>, vector<16xi32>], vector<16xf32>, vector<16xi1>
    } {sc.loop_unroll_factor = 2 : i64, sc.parallel_access}
    "tpu.region"() ({
      %run_scoped3A = tpu.sem_alloc : memref<!tpu.dma_semaphore, #tpu.memory_space<semaphore_mem>>
      %dma_start3A = arith.constant 0 : i32
      %dma_start3A_35 = tpu.memref_slice %arg3[%select_n3A, %mul3A_32, %dma_start3A] : memref<8x2048x96xf32, #tpu.memory_space<hbm>> -> memref<1x512x96xf32, #tpu.memory_space<hbm>>
      %dma_start3A_36 = tpu.memref_squeeze %dma_start3A_35 : memref<1x512x96xf32, #tpu.memory_space<hbm>> -> memref<512x96xf32, #tpu.memory_space<hbm>>
      %dma_start3A_37 = arith.constant 0 : i32
      %dma_start3A_38 = tpu.memref_slice %arg3[%select_n3A, %mul3A_32, %dma_start3A_37] : memref<8x2048x96xf32, #tpu.memory_space<hbm>> -> memref<1x512x96xf32, #tpu.memory_space<hbm>>
      %dma_start3A_39 = tpu.memref_squeeze %dma_start3A_38 : memref<1x512x96xf32, #tpu.memory_space<hbm>> -> memref<512x96xf32, #tpu.memory_space<hbm>>
      tpu.enqueue_dma source(%arg4 : memref<512x96xf32, #tpu.memory_space<vmem>>) target(%dma_start3A_39 : memref<512x96xf32, #tpu.memory_space<hbm>>) target_semaphore(%run_scoped3A : memref<!tpu.dma_semaphore, #tpu.memory_space<semaphore_mem>>)
      %dma_wait3A = arith.constant 0 : i32
      %dma_wait3A_40 = tpu.memref_slice %arg3[%select_n3A, %mul3A_32, %dma_wait3A] : memref<8x2048x96xf32, #tpu.memory_space<hbm>> -> memref<1x512x96xf32, #tpu.memory_space<hbm>>
      %dma_wait3A_41 = tpu.memref_squeeze %dma_wait3A_40 : memref<1x512x96xf32, #tpu.memory_space<hbm>> -> memref<512x96xf32, #tpu.memory_space<hbm>>
      %dma_wait3A_42 = arith.constant 0 : i32
      %dma_wait3A_43 = tpu.memref_slice %arg3[%select_n3A, %mul3A_32, %dma_wait3A_42] : memref<8x2048x96xf32, #tpu.memory_space<hbm>> -> memref<1x512x96xf32, #tpu.memory_space<hbm>>
      %dma_wait3A_44 = tpu.memref_squeeze %dma_wait3A_43 : memref<1x512x96xf32, #tpu.memory_space<hbm>> -> memref<512x96xf32, #tpu.memory_space<hbm>>
      tpu.wait_dma2 semaphore(%run_scoped3A : memref<!tpu.dma_semaphore, #tpu.memory_space<semaphore_mem>>) src(%arg4 : memref<512x96xf32, #tpu.memory_space<vmem>>) dst(%dma_wait3A_44 : memref<512x96xf32, #tpu.memory_space<hbm>>)
      tpu.yield
    }) : () -> ()
    return
  }
}

</mosaic_0001>

<sc_bundles>
// kernel: kernel.3.cloned.1.call-start
scs
__scs_entry_jumppad:
0x0: {  	(pc) =	sbr.rel $0x88, $3  }
0x1: {  	(tag) =	ssettag $0x0;
	lr =	simm.s32 $0x1  }
0x2: {  	[smem:$0x3FA0] =	sst lr;
	_ =	strace $0xD0000000  }
0x3: {  	_ = 	snop  }
0x4: {  	_ = 	snop  }
0x5: {  	_ = 	snop  }
0x6: {  	_ = 	snop  }
0x7: {  	_ = 	snop  }
__scs_overlays_trampoline_lowered:
0x8: {  	[smem:$0x3FAF] =	sst s0  }
0x9: {  	[smem:$0x3FB0] =	sst s1  }
0xa: {  	[smem:$0x3FB1] =	sst s2  }
0xb: {  	[smem:$0x3FB2] =	sst s3  }
0xc: {  	[smem:$0x3FB3] =	sst s4  }
0xd: {  	[smem:$0x3FB4] =	sst s5  }
0xe: {  	[smem:$0x3FB5] =	sst s6  }
0xf: {  	[smem:$0x3FB6] =	sst s7  }
0x10: {  	[smem:$0x3FB7] =	sst s8  }
0x11: {  	[smem:$0x3FB8] =	sst s9;
	s0 =	simm.s32 @!p0 $0x0  }
0x12: {  	s1 =	sld [smem:$0x3F9E];
	s0 =	simm.s32 @p0 $0x1  }
0x13: {  	[smem:$0x3FB9] =	sst s0;
	s0 =	simm.s32 @!p1 $0x0  }
0x14: {  	s2 =	sld [smem:$0x3F9D];
	s0 =	simm.s32 @p1 $0x1  }
0x15: {  	[smem:$0x3FBA] =	sst s0;
	s0 =	simm.s32 @!p2 $0x0  }
0x16: {  	s3 =	sld [smem:$0x3FDB];
	s0 =	simm.s32 @p2 $0x1  }
0x17: {  	s4 =	simm.s32 $0x1BF5;
	[smem:$0x3FBC] =	sst s0  }
0x18: {  	s0 =	sld [smem:$0x3F9F];
	_ =	swait.ge [sflag:s4], $0x0  }
0x19: {  	s7 =	sld [smem:$0x3FA0]  }
0x1a: {  	s8 =	sadd.s32 $0xFFFFE003, lr  }
0x1b: {  	s9 =	sadd.s32 $0xFFFFFEF7, lr;
	s5 =	simm.s32 $0xFFFFFFFF;
	p2 =	slt.u32 s8, $0xFFFFF086  }
0x1c: {  	p1 =	slt.u32 s9, $0xF7A;
	s5 =	simm.s32 @!p2 $0x0  }
0x1d: {  	s5 =	simm.s32 @p1 $0x1;
	p0 =	seq.s32 s7, s2  }
0x1e: {  	s7 =	smul.u32 @!p0 $0xF7A, s2;
	p2 =	seq.s32 @!p0 s5, $0x0  }
0x1f: {  	s9 =	smul.u32 $0xF7A, s1;
	s8 =	simm.s32 @!p0 $0x1BF5;
	p2 =	por !p2, p0  }
0x20: {  	[sflag:s8] =	ssyncset.s32 @!p0 $0xFFFFF086;
	s6 =	sadd.s32 @!p0 s3, s7;
	s7 =	simm.s32 @!p0 $0x108  }
0x21: {  	s3 =	sadd.s32 s3, s9;
	s6 =	sadd.s32 @!p0 $0x88, s6;
	s7 =	simm.s32 @p2 $0x1082  }
0x22: {  	[simem:s7], [sflag:s8] =	dma.local @!p0 [hbm:s6], $0xF7A  }
0x23: {  	s9 =	sor.u32 $0xD0000000, s2;
	s6 =	simm.s32 $0x108;
	_ =	swait.ge @!p0 [sflag:s8], $0x0  }
0x24: {  	s3 =	sadd.s32 $0x88, s3;
	s6 =	simm.s32 @!p1 $0x1082;
	[sflag:s4] =	ssyncset.s32 $0xFFFFF086  }
0x25: {  	[simem:s6], [sflag:s4] =	dma.local [hbm:s3], $0xF7A  }
0x26: {  	[smem:$0x3FA0] =	sst s1;
	(tag) =	ssettag s2;
	_ =	strace s9  }
0x27: {  	s1 =	sld [smem:$0x3FB0]  }
0x28: {  	s2 =	sld [smem:$0x3FB1]  }
0x29: {  	s4 =	sld [smem:$0x3FB3]  }
0x2a: {  	p0 =	seq.s32 s5, $0x0;
	s5 =	sld [smem:$0x3FB4]  }
0x2b: {  	s6 =	sld [smem:$0x3FB5]  }
0x2c: {  	s7 =	sld [smem:$0x3FB6]  }
0x2d: {  	s3 =	simm.s32 $0x108;
	s8 =	sld [smem:$0x3FB7]  }
0x2e: {  	s3 =	simm.s32 @!p0 $0x1082;
	s9 =	sld [smem:$0x3FB8]  }
0x2f: {  	lr =	sadd.s32 s0, s3;
	s0 =	sld [smem:$0x3FAF]  }
0x30: {  	s3 =	sld [smem:$0x3FB2]  }
0x31: {  	[smem:$0x3FBB] =	sst s10  }
0x32: {  	s10 =	sld [smem:$0x3FB9];
	_ =	sdelay $0x3  }
0x33: {  	p0 =	seq.s32 s10, $0x1;
	s10 =	sld [smem:$0x3FBB];
	_ =	sdelay $0x3  }
0x34: {  	[smem:$0x3FBB] =	sst s10  }
0x35: {  	s10 =	sld [smem:$0x3FBA];
	_ =	sdelay $0x3  }
0x36: {  	p1 =	seq.s32 s10, $0x1;
	s10 =	sld [smem:$0x3FBB];
	_ =	sdelay $0x3  }
0x37: {  	[smem:$0x3FBB] =	sst s10  }
0x38: {  	s10 =	sld [smem:$0x3FBC]  }
0x39: {  	_ = 	snop;
	(pc) =	sbr.ind lr, $3  }
0x3a: {  	_ = 	snop  }
0x3b: {  	_ = 	snop  }
0x3c: {  	p2 =	seq.s32 s10, $0x1;
	s10 =	sld [smem:$0x3FBB]  }
0x3d: {  	_ =	shalt  }
0x3e: {  	_ =	shalt  }
0x3f: {  	_ =	shalt  }
0x40: {  	_ =	shalt  }
0x41: {  	_ =	shalt  }
0x42: {  	_ =	shalt  }
0x43: {  	_ =	shalt  }
0x44: {  	_ =	shalt  }
0x45: {  	_ =	shalt  }
0x46: {  	_ =	shalt  }
0x47: {  	_ =	shalt  }
0x48: {  	_ =	shalt  }
0x49: {  	_ =	shalt  }
0x4a: {  	_ =	shalt  }
0x4b: {  	_ =	shalt  }
0x4c: {  	_ =	shalt  }
0x4d: {  	_ =	shalt  }
0x4e: {  	_ =	shalt  }
0x4f: {  	_ =	shalt  }
0x50: {  	_ =	shalt  }
0x51: {  	_ =	shalt  }
0x52: {  	_ =	shalt  }
0x53: {  	_ =	shalt  }
0x54: {  	_ =	shalt  }
0x55: {  	_ =	shalt  }
0x56: {  	_ =	shalt  }
0x57: {  	_ =	shalt  }
0x58: {  	_ =	shalt  }
0x59: {  	_ =	shalt  }
0x5a: {  	_ =	shalt  }
0x5b: {  	_ =	shalt  }
0x5c: {  	_ =	shalt  }
0x5d: {  	_ =	shalt  }
0x5e: {  	_ =	shalt  }
0x5f: {  	_ =	shalt  }
0x60: {  	_ =	shalt  }
0x61: {  	_ =	shalt  }
0x62: {  	_ =	shalt  }
0x63: {  	_ =	shalt  }
0x64: {  	_ =	shalt  }
0x65: {  	_ =	shalt  }
0x66: {  	_ =	shalt  }
0x67: {  	_ =	shalt  }
0x68: {  	_ =	shalt  }
0x69: {  	_ =	shalt  }
0x6a: {  	_ =	shalt  }
0x6b: {  	_ =	shalt  }
0x6c: {  	_ =	shalt  }
0x6d: {  	_ =	shalt  }
0x6e: {  	_ =	shalt  }
0x6f: {  	_ =	shalt  }
0x70: {  	_ =	shalt  }
0x71: {  	_ =	shalt  }
0x72: {  	_ =	shalt  }
0x73: {  	_ =	shalt  }
0x74: {  	_ =	shalt  }
0x75: {  	_ =	shalt  }
0x76: {  	_ =	shalt  }
0x77: {  	_ =	shalt  }
0x78: {  	_ =	shalt  }
0x79: {  	_ =	shalt  }
0x7a: {  	_ =	shalt  }
0x7b: {  	_ =	shalt  }
0x7c: {  	_ =	shalt  }
0x7d: {  	_ =	shalt  }
0x7e: {  	_ =	shalt  }
0x7f: {  	_ =	shalt  }
0x80: {  	_ =	shalt  }
0x81: {  	_ =	shalt  }
0x82: {  	_ =	shalt  }
0x83: {  	_ =	shalt  }
0x84: {  	_ =	shalt  }
0x85: {  	_ =	shalt  }
0x86: {  	_ =	shalt  }
0x87: {  	_ =	shalt  }
.Lfunc_end0:
.L_simem_size_0:
called_computation_lowered:
.L_overlay_start_0:
0x88: {  	s2 =	sld [smem:$0x3FD9]  }
0x89: {  	s3 =	sld [smem:$0x3FFE];
	_ =	sdelay $0x1  }
0x8a: {  	s1 =	srdreg.scid  }
0x8b: {  	s0 =	sand.u32 $0x1, s1  }
0x8c: {  	s16 =	sshll.u32 s0, $0xA;
	s2 =	sadd.s32 s3, s2  }
0x8d: {  	s2 =	sadd.s32 s2, s16  }
0x8e: {  	[smem:$0x3FC7] =	sst s2  }
0x8f: {  	_ = 	snop  }
0x90: {  	(tm) =	ssettm $0x1  }
0x91: {  	s17 =	sld [smem:$0x3FFB];
	_ =	sdelay $0x3  }
0x92: {  	_ =	strace s17  }
0x93: {  	s2 =	sld [smem:$0x3FFC];
	_ =	sdelay $0x3  }
0x94: {  	_ =	strace s2  }
0x95: {  	s2 =	sld [smem:$0x3FFD];
	_ =	sdelay $0x3  }
0x96: {  	_ =	strace s2  }
0x97: {  	_ =	strace $0x8FFFFFFF  }
0x98: {  	s18 =	sld [smem:$0x3FDB];
	_ =	sdelay $0x1  }
0x99: {  	s19 =	simm.s32 $_scs_section_size  }
0x9a: {  	s4 =	simm.s32 $_size__tile_overlayer_lowered;
	s5 =	simm.s32 $_tile_overlayer_lowered  }
0x9b: {  	s22 =	simm.s32 $0x1BFF;
	s21 =	sshll.u32 s5, $0x1;
	s2 =	sadd.s32 s19, s18  }
0x9c: {  	s6 =	simm.s32 $0x0;
	s20 =	sshll.u32 s4, $0x1;
	s4 =	sadd.s32 s21, s2  }
0x9d: {  	[timem:s6], [sflag:s22] =	dma.local [hbm:s4], s20  }
0x9e: {  	_ =	swait.ge [sflag:s22], s20  }
0x9f: {  	s3 =	ssub.s32 $0x0, s20;
	[sflag:s22] =	ssyncset.done $0x0  }
0xa0: {  	[sflag:s22] =	ssyncadd.s32 s3;
	_ =	sdelay $0x1  }
0xa1: {  	s23 =	simm.s32 $0x1B8B  }
0xa2: {  	_ =	swait.ge [sflag:s23], $0x1  }
0xa3: {  	[sflag:s23] =	ssyncset.done $0x0  }
0xa4: {  	s25 =	simm.s32 $0x1B8E;
	s24 =	sld [smem:$0x3FFE];
	[sflag:s23] =	ssyncadd.s32 $0xFFFFFFFF  }
0xa5: {  	s26 =	simm.s32 $execute0_lowered;
	[smem:$0x3FD2] =	sst s25  }
0xa6: {  	s4 =	sshll.u32 s26, $0x1;
	_ =	strace $0x80000046;
	[dreg:$0x1] =	wrdreg $0xFFFFFFFF  }
0xa7: {  	s28 =	simm.s32 $_size_execute0_lowered;
	s2 =	sadd.s32 s2, s4;
	[dreg:$0x0] =	wrdreg $0x0  }
0xa8: {  	s4 =	sshll.u32 s28, $0x1;
	[dreg:$0x2] =	wrdreg s2  }
0xa9: {  	[dreg:$0x3] =	wrdreg s4  }
0xaa: {  	[dreg:$0x4] =	wrdreg $0xC0  }
0xab: {  	_ =	task [dreg:s6], $0x5FFFF  }
0xac: {  	[dreg:$0x1] =	wrdreg $0xFFFFFFFF  }
0xad: {  	[dreg:$0x0] =	wrdreg $0x60  }
0xae: {  	[dreg:$0x2] =	wrdreg s24  }
0xaf: {  	[dreg:$0x3] =	wrdreg $0x9  }
0xb0: {  	_ =	task.clear_ibuf [dreg:s6], $0x4FFFF;
	_ =	strace $0x90000046  }
0xb1: {  	s29 =	simm.s32 $0x9;
	_ =	strace $0x80000048  }
0xb2: {  	_ =	swait.ge [sflag:s29], $0x1  }
0xb3: {  	[sflag:s29] =	ssyncadd.s32 $0xFFFFFFFF  }
0xb4: {  	_ =	strace $0x90000048  }
0xb5: {  	_ =	sfence  }
0xb6: {  	s30 =	sld [smem:$0x0];
	_ =	sdelay $0x2  }
0xb7: {  	s31 =	sshll.u32 s1, $0xD;
	s1 =	sshrl.u32 s1, $0x2  }
0xb8: {  	s3 =	sand.u32 $0x4000, s31;
	s1 =	sadd.s32 s1, s30  }
0xb9: {  	s0 =	sor.u32 s3, s0;
	s1 =	sshll.u32 s1, $0x11  }
0xba: {  	s0 =	sor.u32 s1, s0  }
0xbb: {  	s0 =	sadd.s32 $0x8F2B, s0  }
0xbc: {  	[sflag:s0] =	ssyncadd.remote.s32 $0x1  }
0xbd: {  	_ =	sfence.sel $0xFFFF  }
0xbe: {  	[dreg:$0x0] =	wrdreg $0xFFFFFFFF;
	(pc) =	sbr.abs _section_cstart, $3  }
0xbf: {  	[dreg:$0x1] =	wrdreg $0xFFFFFFFF  }
0xc0: {  	_ =	task.clear_ibuf [dreg:s6], $0x2FFFF;
	_ =	strace $0x9FFFFFFF  }
0xc1: {  	(tm) =	ssettm $0x7FFFFFFF  }
tec
execute0_lowered:
.L_overlay_start_1:
0x0: {  	(tag) =	ssettag $0x1  }
0x1: {  	s0 =	stileid.u32  }
0x2: {  	s1 =	srdreg.scid;
	s3 =	rddreg [dreg:$0x0]  }
0x3: {  	s7 =	simm.s32 $0x0;
	s2 =	sshll.u32 s0, $0x1;
	s4 =	sand.u32 $0x1, s1  }
0x4: {  	s1 =	rddreg [dreg:$0x1];
	s6 =	sshll.u32 s0, $0xE;
	s2 =	sand.u32 $0x2, s2  }
0x5: {  	s6 =	sand.u32 $0x38000, s6;
	s5 =	sor.u32 s4, s2;
	s2 =	simm.s32 $0x0  }
0x6: {  	v0 =	vlaneseq.u32;
	s4 =	ssub.s32 $0x2, s4;
	s5 =	sshll.u32 s5, $0xD;
	[smem:$0x7FF] =	sst s2  }
0x7: {  	v44 =	vmul.u32 $0x80, v0;
	s30 =	sshrl.u32 s4, $0x1;
	s5 =	sor.u32 s6, s5;
	_ =	strace $0x80000047  }
0x8: {  	s31 =	ssub.s32 s4, s30;
	s6 =	simm.s32 $0x1;
	s5 =	sadd.s32 s5, s3  }
0x9: {  	[tilespmem:$0x1FFF0] =	vst v44;
	s3 =	sadd.s32 $0x400, s5;
	s4 =	sadd.s32 $0x40400, s5;
	s5 =	smax.u32 s31, $0x1  }
.LBB2_1:
0xa: {  	s8 =	simm.s32 $0x0  }
0xb: {  	v0 =	vmov s8  }
0xc: {  	v0 =	vshll.u32 v0, $0x7  }
0xd: {  	v11 =	vor.u32 v44, v0  }
0xe: {  	v0 =	vor.u32 $0x23, v11  }
0xf: {  	[tilespmem:s2], [sflag:$0x1] =	stream.linear.gather [hbm4b:s3+s2], $0x10000, $0x38;
	v1 =	vor.u32 $0x24, v11;
	[tilespmem:$0x10000] =	vst v63  }
0x10: {  	_ =	swait.ge [sflag:s6], $0x10000;
	v2 =	vor.u32 $0x25, v11  }
0x11: {  	[sflag:s6] =	ssyncset.done $0x0;
	v3 =	vor.u32 $0x26, v11  }
0x12: {  	[sflag:s6] =	ssyncadd.s32 $0xFFFF0000;
	v4 =	vor.u32 $0x27, v11  }
0x13: {  	v5 =	vor.u32 $0x28, v11;
	v0 =	vld.idx.msk [tilespmem:v0+s2+$0x0], $0xffff  }
0x14: {  	v6 =	vor.u32 $0x29, v11;
	v1 =	vld.idx.msk [tilespmem:v1+s2+$0x0], $0xffff  }
0x15: {  	v7 =	vor.u32 $0x2A, v11;
	v2 =	vld.idx.msk [tilespmem:v2+s2+$0x0], $0xffff  }
0x16: {  	v8 =	vor.u32 $0x2B, v11;
	v3 =	vld.idx.msk [tilespmem:v3+s2+$0x0], $0xffff  }
0x17: {  	v9 =	vor.u32 $0x2C, v11;
	v4 =	vld.idx.msk [tilespmem:v4+s2+$0x0], $0xffff  }
0x18: {  	v10 =	vor.u32 $0x2D, v11;
	v5 =	vld.idx.msk [tilespmem:v5+s2+$0x0], $0xffff  }
0x19: {  	v12 =	vor.u32 $0x2E, v11;
	v6 =	vld.idx.msk [tilespmem:v6+s2+$0x0], $0xffff  }
0x1a: {  	v13 =	vor.u32 $0x2F, v11;
	v7 =	vld.idx.msk [tilespmem:v7+s2+$0x0], $0xffff  }
0x1b: {  	v14 =	vor.u32 $0x30, v11;
	v8 =	vld.idx.msk [tilespmem:v8+s2+$0x0], $0xffff  }
0x1c: {  	v15 =	vor.u32 $0x31, v11;
	v9 =	vld.idx.msk [tilespmem:v9+s2+$0x0], $0xffff  }
0x1d: {  	v16 =	vor.u32 $0x32, v11;
	v10 =	vld.idx.msk [tilespmem:v10+s2+$0x0], $0xffff  }
0x1e: {  	v17 =	vor.u32 $0x3, v11;
	v12 =	vld.idx.msk [tilespmem:v12+s2+$0x0], $0xffff  }
0x1f: {  	v18 =	vor.u32 $0x4, v11;
	v13 =	vld.idx.msk [tilespmem:v13+s2+$0x0], $0xffff  }
0x20: {  	v19 =	vor.u32 $0x5, v11;
	v14 =	vld.idx.msk [tilespmem:v14+s2+$0x0], $0xffff  }
0x21: {  	v20 =	vor.u32 $0x6, v11;
	v15 =	vld.idx.msk [tilespmem:v15+s2+$0x0], $0xffff  }
0x22: {  	v21 =	vor.u32 $0x7, v11;
	v16 =	vld.idx.msk [tilespmem:v16+s2+$0x0], $0xffff  }
0x23: {  	v22 =	vor.u32 $0x8, v11;
	v17 =	vld.idx.msk [tilespmem:v17+s2+$0x0], $0xffff  }
0x24: {  	v23 =	vor.u32 $0x9, v11;
	v18 =	vld.idx.msk [tilespmem:v18+s2+$0x0], $0xffff  }
0x25: {  	v24 =	vor.u32 $0xA, v11;
	v19 =	vld.idx.msk [tilespmem:v19+s2+$0x0], $0xffff  }
0x26: {  	v25 =	vor.u32 $0xB, v11;
	v20 =	vld.idx.msk [tilespmem:v20+s2+$0x0], $0xffff  }
0x27: {  	v26 =	vor.u32 $0xC, v11;
	v21 =	vld.idx.msk [tilespmem:v21+s2+$0x0], $0xffff  }
0x28: {  	s31 =	simm.s32 $0x10;
	v27 =	vor.u32 $0xD, v11;
	v22 =	vld.idx.msk [tilespmem:v22+s2+$0x0], $0xffff  }
0x29: {  	v28 =	vmov s31;
	v29 =	vor.u32 $0xE, v11;
	v23 =	vld.idx.msk [tilespmem:v23+s2+$0x0], $0xffff  }
0x2a: {  	v28 =	vshll.u32 v28, $0x7;
	v30 =	vor.u32 $0xF, v11;
	v24 =	vld.idx.msk [tilespmem:v24+s2+$0x0], $0xffff  }
0x2b: {  	v36 =	vimm.s32 $0x4;
	v45 =	vor.u32 v44, v28;
	v28 =	vor.u32 $0x10, v11;
	v25 =	vld.idx.msk [tilespmem:v25+s2+$0x0], $0xffff  }
0x2c: {  	v35 =	vimm.s32 $0x0;
	v37 =	vimm.s32 $0x6;
	v31 =	vor.u32 $0x11, v11;
	v26 =	vld.idx.msk [tilespmem:v26+s2+$0x0], $0xffff  }
0x2d: {  	v38 =	vimm.s32 $0x8;
	v39 =	vimm.s32 $0xA;
	v33 =	vor.u32 $0x13, v11;
	v27 =	vld.idx.msk [tilespmem:v27+s2+$0x0], $0xffff  }
0x2e: {  	v40 =	vimm.s32 $0xC;
	v32 =	vor.u32 $0x12, v11;
	v48 =	vor.u32 $0x1A, v11;
	v29 =	vld.idx.msk [tilespmem:v29+s2+$0x0], $0xffff  }
0x2f: {  	v34 =	vor.u32 $0x14, v11;
	v41 =	vor.u32 $0x15, v11;
	v43 =	vor.u32 $0x17, v11;
	v42 =	vld.idx.msk [tilespmem:v30+s2+$0x0], $0xffff  }
0x30: {  	v49 =	vor.u32 $0x1C, v11;
	v50 =	vor.u32 $0x1D, v11;
	v53 =	vor.u32 $0x14, v45;
	v28 =	vld.idx.msk [tilespmem:v28+s2+$0x0], $0xffff  }
0x31: {  	v54 =	vor.u32 $0x15, v45;
	v55 =	vor.u32 $0x16, v45;
	v56 =	vor.u32 $0x17, v45;
	v46 =	vld.idx.msk [tilespmem:v31+s2+$0x0], $0xffff  }
0x32: {  	v60 =	vor.u32 $0x18, v45;
	v61 =	vor.u32 $0x1C, v45;
	v62 =	vor.u32 $0x1D, v45;
	v47 =	vld.idx.msk [tilespmem:v33+s2+$0x0], $0xffff  }
0x33: {  	v30 =	vor.u32 $0x16, v11;
	v31 =	vor.u32 $0x18, v11;
	v33 =	vld.idx.msk [tilespmem:v48+s2+$0x0], $0xffff;
	v48 =	vor.u32 $0x20, v45  }
0x34: {  	v32 =	vld.idx.msk [tilespmem:v32+s2+$0x0], $0xffff;
	vm1 =	vgt.f32 v1, v0;
	vm2 =	vgt.f32 v3, v2;
	vm11 =	vgt.f32 v5, v4  }
0x35: {  	vm5 =	vgt.f32 v7, v6;
	vm4 =	vgt.f32 v9, v8;
	vm3 =	vgt.f32 v12, v10  }
0x36: {  	vm13 =	vgt.f32 v18, v17;
	vm6 =	vgt.f32 v14, v13;
	vm12 =	vgt.f32 v16, v15  }
0x37: {  	vm14 =	vgt.f32 v20, v19;
	vm0 =	vgt.f32 v22, v21;
	vm15 =	vgt.f32 v24, v23  }
0x38: {  	vm9 =	vgt.f32 v26, v25;
	vm7 =	vgt.f32 v29, v27;
	vm10 =	vgt.f32 v28, v42  }
0x39: {  	vm8 =	vgt.f32 v32, v46;
	v0 =	vsel vm1, v1, v0;
	v2 =	vsel vm2, v3, v2  }
0x3a: {  	v4 =	vsel vm11, v5, v4;
	v6 =	vsel vm5, v7, v6;
	v8 =	vsel vm4, v9, v8  }
0x3b: {  	v9 =	vor.u32 $0x19, v11;
	v10 =	vsel vm3, v12, v10;
	v17 =	vsel vm13, v18, v17  }
0x3c: {  	v18 =	vor.u32 $0x1B, v11;
	v13 =	vsel vm6, v14, v13;
	v15 =	vsel vm12, v16, v15  }
0x3d: {  	v19 =	vsel vm14, v20, v19;
	v20 =	vor.u32 $0x1E, v11;
	v21 =	vsel vm0, v22, v21  }
0x3e: {  	v22 =	vor.u32 $0x1F, v11;
	v23 =	vsel vm15, v24, v23;
	v24 =	vor.u32 $0x20, v11  }
0x3f: {  	v34 =	vld.idx.msk [tilespmem:v34+s2+$0x0], $0xffff;
	v25 =	vsel vm9, v26, v25;
	v26 =	vor.u32 $0x21, v11;
	v27 =	vsel vm7, v29, v27  }
0x40: {  	v31 =	vld.idx.msk [tilespmem:v31+s2+$0x0], $0xffff;
	v29 =	vor.u32 $0x22, v11;
	v3 =	vsel vm10, v28, v42;
	v42 =	vimm.s32 $0x0  }
0x41: {  	v5 =	vld.idx.msk [tilespmem:v43+s2+$0x0], $0xffff;
	v7 =	vsel vm8, v32, v46;
	v43 =	vimm.s32 $0x2;
	v52 =	vsel vm11, $0x5, v36  }
0x42: {  	v1 =	vld.idx.msk [tilespmem:v41+s2+$0x0], $0xffff;
	v57 =	vsel vm4, $0x9, v38;
	v58 =	vsel vm0, $0x5, v36;
	v41 =	vimm.s32 $0xE  }
0x43: {  	v30 =	vld.idx.msk [tilespmem:v30+s2+$0x0], $0xffff;
	v63 =	vsel vm9, $0x9, v38;
	v46 =	vsel vm10, $0xD, v40;
	v28 =	vsel vm1, $0x1, v42  }
0x44: {  	v14 =	vld.idx.msk [tilespmem:v49+s2+$0x0], $0xffff;
	vm1 =	vgt.f32 v34, v47;
	v51 =	vsel vm2, $0x3, v43;
	vm0 =	vgt.f32 v19, v17  }
0x45: {  	v16 =	vld.idx.msk [tilespmem:v50+s2+$0x0], $0xffff;
	v59 =	vsel vm12, $0xF, v41;
	vm12 =	vgt.f32 v15, v13;
	vm10 =	vgt.f32 v27, v25  }
0x46: {  	v12 =	vsel vm1, v34, v47;
	v17 =	vsel vm0, v19, v17;
	v9 =	vld.idx.msk [tilespmem:v9+s2+$0x0], $0xffff;
	vm11 =	vgt.f32 v31, v5  }
0x47: {  	v19 =	vor.u32 $0x1A, v45;
	v13 =	vsel vm12, v15, v13;
	v18 =	vld.idx.msk [tilespmem:v18+s2+$0x0], $0xffff;
	v35 =	vsel vm11, $0xFFFFFFFF, v35  }
0x48: {  	v47 =	vor.u32 $0x1F, v45;
	v25 =	vsel vm10, v27, v25;
	vm2 =	vgt.f32 v30, v1;
	v20 =	vld.idx.msk [tilespmem:v20+s2+$0x0], $0xffff;
	[tilespmem:$0x1FEF0] =	vst v35  }
0x49: {  	v49 =	vsel vm1, $0x1, v42;
	v1 =	vsel vm2, v30, v1;
	v30 =	vsel vm5, $0x7, v37;
	v22 =	vld.idx.msk [tilespmem:v22+s2+$0x0], $0xffff  }
0x4a: {  	vm5 =	vgt.f32 v2, v0;
	v5 =	vsel vm11, v31, v5;
	v31 =	vor.u32 $0x13, v45;
	v24 =	vld.idx.msk [tilespmem:v24+s2+$0x0], $0xffff  }
0x4b: {  	v28 =	vsel vm5, v51, v28;
	v0 =	vsel vm5, v2, v0;
	vm5 =	vgt.f32 v6, v4;
	v26 =	vld.idx.msk [tilespmem:v26+s2+$0x0], $0xffff  }
0x4c: {  	v51 =	vor.u32 $0x3, v45;
	v30 =	vsel vm5, v30, v52;
	v4 =	vsel vm5, v6, v4;
	v34 =	vld.idx.msk [tilespmem:v55+s2+$0x0], $0xffff  }
0x4d: {  	v27 =	vld.idx.msk [tilespmem:v60+s2+$0x0], $0xffff;
	v55 =	vor.u32 $0x2, v11;
	v60 =	vor.u32 $0xA, v45;
	vm11 =	vgt.f32 v33, v9  }
0x4e: {  	v15 =	vld.idx.msk [tilespmem:v61+s2+$0x0], $0xffff;
	v61 =	vor.u32 $0x10, v45;
	vm5 =	vgt.f32 v14, v18;
	v9 =	vsel vm11, v33, v9  }
0x4f: {  	v29 =	vld.idx.msk [tilespmem:v29+s2+$0x0], $0xffff;
	v14 =	vsel vm5, v14, v18;
	v18 =	vsel vm3, $0xB, v39;
	vm3 =	vgt.f32 v20, v16  }
0x50: {  	v2 =	vld.idx.msk [tilespmem:v54+s2+$0x0], $0xffff;
	v54 =	vsel vm5, $0x9, v38;
	v16 =	vsel vm3, v20, v16;
	v20 =	vsel vm13, $0x1, v42  }
0x51: {  	v6 =	vld.idx.msk [tilespmem:v56+s2+$0x0], $0xffff;
	vm13 =	vgt.f32 v10, v8;
	v56 =	vsel vm3, $0xB, v39;
	vm4 =	vgt.f32 v24, v22  }
0x52: {  	v18 =	vsel vm13, v18, v57;
	v8 =	vsel vm13, v10, v8;
	v10 =	vor.u32 $0x19, v45  }
0x53: {  	vm13 =	vgt.f32 v1, v12;
	v22 =	vsel vm4, v24, v22;
	v24 =	vsel vm6, $0xD, v40  }
0x54: {  	vm6 =	vgt.f32 v29, v26;
	v1 =	vsel vm13, v1, v12;
	v57 =	vsel vm4, $0xD, v40  }
0x55: {  	v12 =	vld.idx.msk [tilespmem:v62+s2+$0x0], $0xffff;
	v62 =	vor.u32 $0x12, v45;
	v26 =	vsel vm6, v29, v26;
	v29 =	vsel vm14, $0x3, v43  }
0x56: {  	vm14 =	vgt.f32 v23, v21;
	v24 =	vsel vm12, v59, v24;
	v59 =	vor.u32 $0x6, v45  }
0x57: {  	v20 =	vsel vm0, v29, v20;
	v29 =	vsel vm15, $0x7, v37;
	v21 =	vsel vm14, v23, v21  }
0x58: {  	v23 =	vor.u32 $0x1B, v45;
	vm0 =	vgt.f32 v9, v5;
	vm12 =	vgt.f32 v26, v22  }
0x59: {  	vm15 =	vgt.f32 v7, v3;
	v29 =	vsel vm14, v29, v58;
	v5 =	vsel vm0, v9, v5  }
0x5a: {  	v9 =	vor.u32 $0x1E, v45;
	vm14 =	vgt.f32 v16, v14;
	v22 =	vsel vm12, v26, v22  }
0x5b: {  	v26 =	vld.idx.msk [tilespmem:v31+s2+$0x0], $0xffff;
	v31 =	vsel vm7, $0xB, v39;
	v3 =	vsel vm15, v7, v3;
	v58 =	vor.u32 $0x5, v45  }
0x5c: {  	v14 =	vsel vm14, v16, v14;
	vm9 =	vgt.f32 v5, v1;
	v16 =	vsel vm10, v31, v63  }
0x5d: {  	v31 =	vor.u32 $0x21, v45;
	vm10 =	vgt.f32 v21, v17;
	v50 =	vld.idx.msk [tilespmem:v10+s2+$0x0], $0xffff;
	v10 =	vsel vm2, $0x3, v43  }
0x5e: {  	vm2 =	vgt.f32 v3, v25;
	v63 =	vor.u32 $0x24, v45;
	vm7 =	vgt.f32 v22, v14  }
0x5f: {  	v1 =	vsel vm9, v5, v1;
	v17 =	vsel vm10, v21, v17;
	v21 =	vor.u32 $0x22, v45  }
0x60: {  	v3 =	vsel vm2, v3, v25;
	v10 =	vsel vm13, v10, v49;
	v20 =	vsel vm10, v29, v20  }
0x61: {  	v29 =	vor.u32 $0x7, v45;
	vm13 =	vgt.f32 v34, v2;
	v49 =	vor.u32 $0x2A, v45  }
0x62: {  	v14 =	vsel vm7, v22, v14;
	v22 =	vsel vm8, $0xF, v41;
	v33 =	vld.idx.msk [tilespmem:v59+s2+$0x0], $0xffff;
	v2 =	vsel vm13, v34, v2  }
0x63: {  	v59 =	vimm.s32 $0x0;
	vm8 =	vgt.f32 v14, v1;
	v52 =	vld.idx.msk [tilespmem:v23+s2+$0x0], $0xffff;
	v23 =	vsel vm11, $0x7, v37  }
0x64: {  	v32 =	vld.idx.msk [tilespmem:v53+s2+$0x0], $0xffff;
	v5 =	vsel vm15, v22, v46;
	vm11 =	vgt.f32 v4, v0;
	vm15 =	vgt.f32 v13, v8  }
0x65: {  	v22 =	vor.u32 $0x4, v45;
	v1 =	vld.idx.msk [tilespmem:v47+s2+$0x0], $0xffff;
	v46 =	vor.u32 $0x25, v45;
	v47 =	vor.u32 $0x28, v45  }
0x66: {  	v14 =	vld.idx.msk [tilespmem:v48+s2+$0x0], $0xffff;
	v48 =	vor.u32 $0x29, v45;
	v0 =	vsel vm11, v4, v0;
	v53 =	vsel vm15, v13, v8  }
0x67: {  	v25 =	vld [tilespmem:$0x1FEF0];
	v8 =	vor.u32 $0x1, v11;
	v4 =	vsel vm14, v56, v54;
	v28 =	vsel vm11, v30, v28  }
0x68: {  	v19 =	vld.idx.msk [tilespmem:v19+s2+$0x0], $0xffff;
	v30 =	vor.u32 $0x8, v45;
	v18 =	vsel vm15, v24, v18;
	v24 =	vor.u32 $0x9, v45  }
0x69: {  	v5 =	vsel vm2, v5, v16;
	v13 =	vld.idx.msk [tilespmem:v58+s2+$0x0], $0xffff;
	vm10 =	vgt.f32 v32, v26;
	v54 =	vimm.s32 $0x0  }
0x6a: {  	v16 =	vld.idx.msk [tilespmem:v60+s2+$0x0], $0xffff;
	v56 =	vimm.s32 $0x0;
	v58 =	vor.u32 $0x2, v45;
	v60 =	vimm.s32 $0x0  }
0x6b: {  	v9 =	vld.idx.msk [tilespmem:v9+s2+$0x0], $0xffff;
	vm5 =	vgt.f32 v53, v0;
	v26 =	vsel vm10, v32, v26;
	v53 =	vimm.s32 $0x0  }
0x6c: {  	v32 =	vld.idx.msk [tilespmem:v63+s2+$0x0], $0xffff;
	v63 =	vimm.s32 $0x0;
	vm1 =	vnez.u8 v25;
	v18 =	vsel vm5, v18, v28  }
0x6d: {  	v31 =	vld.idx.msk [tilespmem:v31+s2+$0x0], $0xffff;
	v28 =	vor.u32 $0xF, v45;
	v25 =	vsel vm1, $0x5, v36;
	vm1 =	vgt.f32 v3, v17  }
0x6e: {  	v0 =	vld.idx.msk [tilespmem:v55+s2+$0x0], $0xffff;
	v23 =	vsel vm0, v23, v25;
	v25 =	vsel vm6, $0xF, v41;
	v5 =	vsel vm1, v5, v20  }
0x6f: {  	v21 =	vld.idx.msk [tilespmem:v21+s2+$0x0], $0xffff;
	v20 =	vor.u32 $0xE, v45;
	vm5 =	vgt.f32 v15, v52;
	vm3 =	vgt.f32 v14, v1  }
0x70: {  	v29 =	vld.idx.msk [tilespmem:v29+s2+$0x0], $0xffff;
	v25 =	vsel vm12, v25, v57;
	v10 =	vsel vm9, v23, v10;
	v23 =	vor.u32 $0xB, v45  }
0x71: {  	v3 =	vld.idx.msk [tilespmem:v51+s2+$0x0], $0xffff;
	v15 =	vsel vm5, v15, v52;
	vm6 =	vgt.f32 v9, v12;
	v1 =	vsel vm3, v14, v1  }
0x72: {  	v8 =	vld.idx.msk [tilespmem:v8+s2+$0x0], $0xffff;
	vm9 =	vgt.f32 v33, v13;
	v52 =	vor.u32 $0x32, v45;
	v4 =	vsel vm7, v25, v4  }
0x73: {  	v22 =	vld.idx.msk [tilespmem:v22+s2+$0x0], $0xffff;
	v25 =	vor.u32 $0xC, v45;
	vm1 =	vgt.f32 v0, $5.000000000e-01;
	vm7 =	vgt.f32 v27, v6  }
0x74: {  	v30 =	vld.idx.msk [tilespmem:v30+s2+$0x0], $0xffff;
	v9 =	vsel vm6, v9, v12;
	v13 =	vsel vm9, v33, v13;
	v4 =	vsel vm8, v4, v10  }
0x75: {  	v0 =	vld.idx.msk [tilespmem:v62+s2+$0x0], $0xffff;
	v62 =	vimm.s32 $0x0;
	v10 =	vor.u32 $0xD, v45;
	v4 =	vshll.u32 v4, $0x4  }
0x76: {  	v24 =	vld.idx.msk [tilespmem:v24+s2+$0x0], $0xffff;
	v6 =	vsel vm7, v27, v6;
	v27 =	vor.u32 $0x26, v45;
	v4 =	vor.u32 v5, v4  }
0x77: {  	vm8 =	vgt.f32 v19, v50;
	v35 =	vld.idx.msk [tilespmem:v28+s2+$0x0], $0xffff;
	vm0 =	vgt.f32 v8, $5.000000000e-01;
	v8 =	vshll.u32 v4, v18  }
0x78: {  	v20 =	vld.idx.msk [tilespmem:v20+s2+$0x0], $0xffff;
	v4 =	vshrl.u32 v4, v18;
	v18 =	vor.u32 $0x11, v45;
	v8 =	vand.u32 $0xFF, v8  }
0x79: {  	vm4 =	vgt.f32 v21, v31;
	v5 =	vld.idx.msk [tilespmem:v61+s2+$0x0], $0xffff;
	v4 =	vsel vm0, v8, v4;
	v8 =	vor.u32 $0x23, v45  }
0x7a: {  	v28 =	vimm.s32 $0x0;
	v7 =	vsel vm8, v19, v50;
	v19 =	vor.u32 $0x27, v45;
	v23 =	vld.idx.msk [tilespmem:v23+s2+$0x0], $0xffff  }
0x7b: {  	v21 =	vsel vm4, v21, v31;
	v31 =	vor.u32 $0x2B, v45;
	v50 =	vor.u32 $0x2D, v45;
	v25 =	vld.idx.msk [tilespmem:v25+s2+$0x0], $0xffff  }
0x7c: {  	v51 =	vsel vm8, $0x7, v37;
	vm2 =	vgt.f32 v22, v3;
	vm11 =	vgt.f32 v30, v29;
	v10 =	vld.idx.msk [tilespmem:v10+s2+$0x0], $0xffff  }
0x7d: {  	v61 =	vimm.s32 $0x0;
	v3 =	vsel vm2, v22, v3;
	v28 =	vsel vm11, $0xFFFFFFFF, v28;
	v18 =	vld.idx.msk [tilespmem:v18+s2+$0x0], $0xffff  }
0x7e: {  	v22 =	vor.u32 $0x2C, v45;
	vm12 =	vgt.f32 v16, v24;
	v8 =	vld.idx.msk [tilespmem:v8+s2+$0x0], $0xffff;
	[tilespmem:$0x1FF00] =	vst v28;
	v28 =	vimm.s32 $0x0  }
0x7f: {  	v29 =	vsel vm11, v30, v29;
	v30 =	vor.u32 $0x2E, v45;
	v34 =	vld.idx.msk [tilespmem:v46+s2+$0x0], $0xffff;
	v28 =	vsel vm12, $0xFFFFFFFF, v28  }
0x80: {  	v16 =	vsel vm12, v16, v24;
	vm11 =	vgt.f32 v25, v23;
	v27 =	vld.idx.msk [tilespmem:v27+s2+$0x0], $0xffff;
	[tilespmem:$0x1FF10] =	vst v28;
	v28 =	vimm.s32 $0x0  }
0x81: {  	vm0 =	vmor vm0, vm1;
	vm1 =	vgt.f32 v9, v15;
	v28 =	vsel vm11, $0xFFFFFFFF, v28  }
0x82: {  	v24 =	vand.u32 $0xF, v4;
	v4 =	vshrl.u32 v4, $0x4;
	v9 =	vsel vm1, v9, v15;
	[tilespmem:$0x1FF20] =	vst v28  }
0x83: {  	v24 =	vor.u32 v11, v24;
	v4 =	vadd.s32 v11, v4;
	vm14 =	vgt.f32 v5, v35;
	v19 =	vld.idx.msk [tilespmem:v19+s2+$0x0], $0xffff  }
0x84: {  	v5 =	vsel vm14, v5, v35;
	v23 =	vsel vm11, v25, v23;
	vm12 =	vgt.f32 v20, v10;
	v17 =	vld.idx.msk [tilespmem:v47+s2+$0x0], $0xffff  }
0x85: {  	v10 =	vsel vm12, v20, v10;
	v20 =	vsel vm10, $0x1, v42;
	vm10 =	vgt.f32 v2, v26;
	v12 =	vld.idx.msk [tilespmem:v48+s2+$0x0], $0xffff  }
0x86: {  	v25 =	vor.u32 $0x2F, v45;
	v2 =	vsel vm10, v2, v26;
	v26 =	vsel vm13, $0x3, v43;
	v11 =	vld.idx.msk [tilespmem:v11+s2+$0x0], $0xffff  }
0x87: {  	v28 =	vsel vm10, v26, v20;
	v20 =	vor.u32 $0x30, v45;
	vm10 =	vgt.f32 v0, v18;
	v14 =	vld.idx.msk [tilespmem:v49+s2+$0x0], $0xffff  }
0x88: {  	v26 =	vsel vm7, $0x5, v36;
	vm7 =	vgt.f32 v7, v6;
	v31 =	vld.idx.msk [tilespmem:v31+s2+$0x0], $0xffff;
	v0 =	vsel vm10, v0, v18  }
0x89: {  	v18 =	vor.u32 $0x31, v45;
	v6 =	vsel vm7, v7, v6;
	v33 =	vld.idx.msk [tilespmem:v50+s2+$0x0], $0xffff;
	vm11 =	vgt.f32 v32, v8  }
0x8a: {  	v26 =	vsel vm7, v51, v26;
	v30 =	vld.idx.msk [tilespmem:v30+s2+$0x0], $0xffff;
	vm7 =	vgt.f32 v21, v1;
	v15 =	vsel vm11, $0xFFFFFFFF, v53  }
0x8b: {  	v4 =	vadd.s32 $0x43, v4;
	v22 =	vld.idx.msk [tilespmem:v22+s2+$0x0], $0xffff;
	v1 =	vsel vm7, v21, v1;
	v21 =	vsel vm5, $0x9, v38;
	[tilespmem:$0x1FF30] =	vst v15  }
0x8c: {  	vm5 =	vge.f32 v11, $5.000000000e-01;
	v11 =	vld.idx.msk [tilespmem:v20+s2+$0x0], $0xffff;
	v20 =	vsel vm6, $0xB, v39;
	vm6 =	vgt.f32 v17, v19  }
0x8d: {  	v15 =	vld.idx.msk [tilespmem:v25+s2+$0x0], $0xffff;
	v36 =	vsel vm1, v20, v21;
	vm0 =	vmand vm5, vm0;
	v20 =	vadd.s32 $0x33, v24  }
0x8e: {  	v7 =	vld.idx.msk [tilespmem:v52+s2+$0x0], $0xffff;
	vm5 =	vgt.f32 v27, v34;
	vm1 =	vgt.f32 v14, v12;
	v21 =	vimm.s32 $0x0  }
0x8f: {  	v18 =	vld.idx.msk [tilespmem:v18+s2+$0x0], $0xffff;
	v24 =	vsel vm3, $0xD, v40;
	vm3 =	vgt.f32 v30, v33;
	v21 =	vsel vm5, $0xFFFFFFFF, v21  }
0x90: {  	v12 =	vsel vm1, v14, v12;
	[tilespmem:$0x1FF40] =	vst v21;
	v21 =	vsel vm5, v27, v34;
	vm5 =	vgt.f32 v22, v31  }
0x91: {  	v14 =	vsel vm5, $0xFFFFFFFF, v54;
	v55 =	vsel vm5, v22, v31;
	v22 =	vimm.s32 $0x0  }
0x92: {  	v17 =	vsel vm6, v17, v19;
	v19 =	vsel vm4, $0xF, v41;
	[tilespmem:$0x1FF50] =	vst v14;
	v22 =	vsel vm3, $0xFFFFFFFF, v22  }
0x93: {  	v8 =	vsel vm11, v32, v8;
	v39 =	vsel vm7, v19, v24;
	v19 =	vimm.f32 $2.000000000e+00;
	[tilespmem:$0x1FF60] =	vst v22  }
0x94: {  	vm11 =	vmmov vm1;
	vm1 =	vgt.f32 v11, v15;
	[tilespmem:v20+s2+$0x0] =	vst.idx.add.f32.msk vm0, v19;
	v20 =	vimm.s32 $0x0  }
0x95: {  	v11 =	vsel vm1, v11, v15;
	v20 =	vsel vm1, $0xFFFFFFFF, v20;
	vm1 =	vgt.f32 v7, v18  }
0x96: {  	vm13 =	vmmov vm6;
	v40 =	vsel vm2, $0x1, v42;
	[tilespmem:$0x1FF70] =	vst v20;
	v15 =	vsel vm1, $0xFFFFFFFF, v56  }
0x97: {  	vm6 =	vgt.f32 v0, v5;
	vm7 =	vgt.f32 v16, v29;
	vm15 =	vgt.f32 v21, v8;
	[tilespmem:$0x1FF80] =	vst v15  }
0x98: {  	vm5 =	vgt.f32 v10, v23;
	v25 =	vsel vm15, v21, v8;
	v22 =	vsel vm3, v30, v33;
	v57 =	vld.idx.msk [tilespmem:v45+s2+$0x0], $0xffff  }
0x99: {  	v33 =	vsel vm7, v16, v29;
	v29 =	vsel vm5, v10, v23;
	v7 =	vsel vm1, v7, v18  }
0x9a: {  	v10 =	vor.u32 $0x1, v45;
	vm1 =	vgt.f32 v22, v55;
	[tilespmem:v4+s2+$0x0] =	vst.idx.add.f32.msk vm0, v19;
	vm0 =	vgt.f32 v6, v2  }
0x9b: {  	[tilespmem:$0x1FF90] =	vst v45;
	v4 =	vsel vm0, $0xFFFFFFFF, v59;
	v41 =	vsel vm0, v6, v2;
	vm0 =	vgt.f32 v1, v9  }
0x9c: {  	v20 =	vsel vm1, v22, v55;
	[tilespmem:$0x1FFA0] =	vst v4;
	v2 =	vsel vm0, $0xFFFFFFFF, v60;
	v43 =	vsel vm0, v1, v9  }
0x9d: {  	vm0 =	vgt.f32 v7, v11;
	v1 =	vsel vm1, $0xFFFFFFFF, v61;
	[tilespmem:$0x1FFB0] =	vst v2;
	vm1 =	vge.f32 v57, $5.000000000e-01  }
0x9e: {  	[tilespmem:$0x1FFC0] =	vst v1;
	v1 =	vsel vm0, $0xFFFFFFFF, v62;
	v21 =	vsel vm0, v7, v11;
	vm0 =	vmmov vm1  }
0x9f: {  	vm2 =	vgt.f32 v13, v3;
	v34 =	vsel vm6, v0, v5;
	[tilespmem:$0x1FFD0] =	vst v1;
	v1 =	vsel vm0, $0xFFFFFFFF, v63  }
0xa0: {  	vm4 =	vgt.f32 v12, v17;
	v30 =	vsel vm2, v13, v3;
	v9 =	vld.idx.msk [tilespmem:v10+s2+$0x0], $0xffff;
	[tilespmem:$0x1FFE0] =	vst v1  }
0xa1: {  	s9 =	simm.s32 $0x30;
	s8 =	simm.s32 $0x0;
	v42 =	vsel vm4, v12, v17;
	vm8 =	vgt.f32 v34, v29;
	vm0 =	vgt.f32 v33, v30;
	v10 =	vld.idx.msk [tilespmem:v58+s2+$0x0], $0xffff  }
.LBB2_2:
0xa2: {  	_ =	sdelay $0x1  }
0xa3: {  	v1 =	vmov s9;
	v2 =	vld [tilespmem:$0x1FF00]  }
0xa4: {  	v1 =	vshll.u32 v1, $0x7  }
0xa5: {  	v22 =	vor.u32 v44, v1  }
0xa6: {  	s10 =	sadd.s32 $0xFFFFFFF0, s9;
	v51 =	vor.u32 $0x14, v22  }
0xa7: {  	v38 =	vmov s10;
	v54 =	vor.u32 $0x15, v22;
	[tilespmem:$0x1F790] =	vst v51  }
0xa8: {  	vm1 =	vnez.u8 v2;
	v2 =	vshll.u32 v38, $0x7;
	v5 =	vor.u32 $0x17, v22;
	[tilespmem:$0x1F7A0] =	vst v54  }
0xa9: {  	v57 =	vor.u32 $0x18, v22;
	v11 =	vor.u32 v44, v2;
	[tilespmem:$0x1F7C0] =	vst v5  }
0xaa: {  	v8 =	vor.u32 $0x1B, v22;
	[tilespmem:$0x1F7D0] =	vst v57;
	v53 =	vor.u32 $0x23, v11  }
0xab: {  	[tilespmem:$0x1F800] =	vst v8;
	v8 =	vor.u32 $0x1C, v22;
	v60 =	vor.u32 $0x26, v11  }
0xac: {  	v61 =	vor.u32 $0x1D, v22;
	[tilespmem:$0x1F830] =	vst v8;
	v8 =	vor.u32 $0x27, v11  }
0xad: {  	v14 =	vor.u32 $0x1F, v22;
	[tilespmem:$0x1F840] =	vst v61  }
0xae: {  	v16 =	vor.u32 $0x1, v22;
	[tilespmem:$0x1F8C0] =	vst v14  }
0xaf: {  	v51 =	vor.u32 $0x4, v22;
	[tilespmem:$0x1FDC0] =	vst v16;
	v63 =	vld.idx.msk [tilespmem:v53+s2+$0x0], $0xffff  }
0xb0: {  	[tilespmem:$0x1F970] =	vst v51;
	v51 =	vor.u32 $0x26, v22;
	v53 =	vld.idx.msk [tilespmem:v60+s2+$0x0], $0xffff  }
0xb1: {  	[tilespmem:$0x1FBE0] =	vst v51;
	v57 =	vld.idx.msk [tilespmem:v8+s2+$0x0], $0xffff;
	v8 =	vor.u32 $0x7, v22  }
0xb2: {  	[tilespmem:$0x1F9D0] =	vst v8;
	v8 =	vor.u32 $0x8, v22  }
0xb3: {  	[tilespmem:$0x1F9E0] =	vst v8;
	v8 =	vor.u32 $0x9, v22  }
0xb4: {  	[tilespmem:$0x1F9F0] =	vst v8;
	v8 =	vor.u32 $0xA, v22  }
0xb5: {  	[tilespmem:$0x1FA00] =	vst v8  }
0xb6: {  	v0 =	vimm.s32 $0x2;
	v15 =	vimm.s32 $0x2;
	v8 =	vor.u32 $0xB, v22;
	[tilespmem:$0x1F770] =	vst v53  }
0xb7: {  	v37 =	vimm.s32 $0x4;
	v7 =	vimm.s32 $0x4;
	v4 =	vld [tilespmem:$0x1FF10];
	[tilespmem:$0x1FA10] =	vst v8;
	v8 =	vor.u32 $0xC, v22  }
0xb8: {  	v3 =	vimm.s32 $0x6;
	v12 =	vimm.s32 $0x6;
	[tilespmem:$0x1FA20] =	vst v8;
	v8 =	vor.u32 $0xD, v22  }
0xb9: {  	v45 =	vimm.s32 $0x8;
	v46 =	vld [tilespmem:$0x1FF20];
	v16 =	vimm.s32 $0xE;
	[tilespmem:$0x1FA30] =	vst v8;
	v8 =	vor.u32 $0xE, v22  }
0xba: {  	vm3 =	vgt.f32 v43, v41;
	v51 =	vsel vm10, $0xF, v16;
	v16 =	vld [tilespmem:$0x1FFA0];
	[tilespmem:$0x1FAA0] =	vst v8;
	v8 =	vor.u32 $0xF, v22  }
0xbb: {  	v48 =	vsel vm9, $0x3, v0;
	v0 =	vsel vm1, $0x5, v37;
	[tilespmem:$0x1FB10] =	vst v8;
	v8 =	vor.u32 $0x10, v22  }
0xbc: {  	vm1 =	vnez.u8 v4;
	v58 =	vor.u32 $0x25, v11;
	[tilespmem:$0x1FB70] =	vst v8;
	v8 =	vor.u32 $0x11, v22  }
0xbd: {  	v18 =	vld [tilespmem:$0x1FF30];
	v50 =	vsel vm1, $0x7, v3;
	v56 =	vor.u32 $0x24, v11;
	[tilespmem:$0x1FB90] =	vst v8;
	v8 =	vor.u32 $0x12, v22  }
0xbe: {  	v41 =	vld [tilespmem:$0x1FF50];
	vm1 =	vnez.u8 v46;
	v37 =	vor.u32 $0x29, v11;
	[tilespmem:$0x1FBA0] =	vst v8;
	v8 =	vor.u32 $0x23, v22  }
0xbf: {  	v1 =	vsel vm1, $0x9, v45;
	vm1 =	vnez.u8 v16;
	v16 =	vld [tilespmem:$0x1FFB0];
	[tilespmem:$0x1FBB0] =	vst v8;
	v8 =	vor.u32 $0x24, v22  }
0xc0: {  	v52 =	vimm.s32 $0x8;
	v43 =	vld [tilespmem:$0x1FF60];
	v47 =	vor.u32 $0x13, v22;
	[tilespmem:$0x1FBC0] =	vst v8;
	v8 =	vor.u32 $0x2F, v22  }
0xc1: {  	v59 =	vor.u32 $0x1A, v22;
	v13 =	vor.u32 $0x28, v11;
	v45 =	vld.idx.msk [tilespmem:v58+s2+$0x0], $0xffff;
	[tilespmem:$0x1FD10] =	vst v8;
	v8 =	vor.u32 $0x30, v22  }
0xc2: {  	v44 =	vor.u32 $0x22, v22;
	v46 =	vor.u32 $0x2A, v11;
	v35 =	vld.idx.msk [tilespmem:v56+s2+$0x0], $0xffff;
	[tilespmem:$0x1FD20] =	vst v8;
	v8 =	vor.u32 $0x31, v22  }
0xc3: {  	v61 =	vld.idx.msk [tilespmem:v37+s2+$0x0], $0xffff;
	v37 =	vor.u32 $0x31, v11;
	v28 =	vsel vm1, v26, v28;
	[tilespmem:$0x1FD50] =	vst v8;
	v8 =	vor.u32 $0x32, v22  }
0xc4: {  	v49 =	vld.idx.msk [tilespmem:v22+s2+$0x0], $0xffff;
	v53 =	vor.u32 $0x4, v11;
	vm1 =	vnez.u8 v16;
	[tilespmem:$0x1FDA0] =	vst v8;
	v8 =	vimm.s32 $0xA  }
0xc5: {  	[tilespmem:$0x1F920] =	vst v44;
	v2 =	vld.idx.msk [tilespmem:v47+s2+$0x0], $0xffff;
	v16 =	vimm.s32 $0x0;
	v44 =	vsel vm12, $0xB, v8;
	v8 =	vimm.s32 $0xC  }
0xc6: {  	v14 =	vld.idx.msk [tilespmem:v13+s2+$0x0], $0xffff;
	[tilespmem:$0x1F760] =	vst v45;
	v45 =	vsel vm14, $0xD, v8;
	v1 =	vsel vm5, v44, v1;
	vm5 =	vnez.u8 v18  }
0xc7: {  	[tilespmem:$0x1F7F0] =	vst v59;
	v4 =	vor.u32 $0xA, v11;
	v45 =	vsel vm6, v51, v45;
	v51 =	vsel vm5, $0x1, v16;
	v16 =	vld [tilespmem:$0x1FF40]  }
0xc8: {  	v17 =	vimm.s32 $0xA;
	v7 =	vsel vm13, $0x5, v7;
	v54 =	vor.u32 $0x2B, v11;
	[tilespmem:$0x1F740] =	vst v35;
	v35 =	vld.idx.msk [tilespmem:v46+s2+$0x0], $0xffff  }
0xc9: {  	v40 =	vsel vm2, v48, v40;
	v59 =	vor.u32 $0x2D, v11;
	[tilespmem:$0x1F780] =	vst v57;
	v57 =	vor.u32 $0x29, v22;
	v46 =	vld.idx.msk [tilespmem:v37+s2+$0x0], $0xffff  }
0xca: {  	vm2 =	vgt.f32 v21, v20;
	v62 =	vor.u32 $0x1E, v22;
	[tilespmem:$0x1FC10] =	vst v57;
	v57 =	vor.u32 $0xD, v11;
	v44 =	vld [tilespmem:$0x1FF70]  }
0xcb: {  	v48 =	vsel vm11, $0x7, v12;
	[tilespmem:$0x1F880] =	vst v62;
	v62 =	vor.u32 $0x2F, v11;
	v5 =	vor.u32 $0xB, v11;
	v37 =	vld.idx.msk [tilespmem:v53+s2+$0x0], $0xffff  }
0xcc: {  	v53 =	vsel vm8, v34, v29;
	v34 =	vld.idx.msk [tilespmem:v4+s2+$0x0], $0xffff;
	v4 =	vor.u32 $0xF, v11;
	vm5 =	vnez.u8 v16  }
0xcd: {  	v0 =	vsel vm7, v50, v0;
	v13 =	vld.idx.msk [tilespmem:v54+s2+$0x0], $0xffff;
	v50 =	vsel vm5, $0x3, v15;
	vm5 =	vnez.u8 v41  }
0xce: {  	v58 =	vor.u32 $0x2C, v11;
	v23 =	vld.idx.msk [tilespmem:v59+s2+$0x0], $0xffff;
	v16 =	vsel vm5, $0x9, v52;
	vm5 =	vnez.u8 v43  }
0xcf: {  	v8 =	vimm.s32 $0xC;
	v18 =	vld.idx.msk [tilespmem:v57+s2+$0x0], $0xffff;
	v15 =	vsel vm5, $0xB, v17;
	vm5 =	vnez.u8 v44  }
0xd0: {  	v7 =	vsel vm4, v48, v7;
	v6 =	vor.u32 $0x19, v22;
	v12 =	vsel vm5, $0xD, v8;
	v8 =	vld [tilespmem:$0x1FF80]  }
0xd1: {  	v32 =	vor.u32 $0x20, v22;
	v38 =	vor.u32 $0x21, v22;
	v57 =	vld.idx.msk [tilespmem:v4+s2+$0x0], $0xffff;
	v4 =	vor.u32 $0x14, v11  }
0xd2: {  	[tilespmem:$0x1F7E0] =	vst v6;
	v6 =	vor.u32 $0x11, v11;
	v48 =	vor.u32 $0x1C, v11;
	v47 =	vor.u32 $0x3, v22;
	v31 =	vld.idx.msk [tilespmem:v62+s2+$0x0], $0xffff  }
0xd3: {  	[tilespmem:$0x1F960] =	vst v47;
	v54 =	vor.u32 $0x27, v22;
	v36 =	vsel vm1, v39, v36;
	v39 =	vld.idx.msk [tilespmem:v5+s2+$0x0], $0xffff;
	v5 =	vor.u32 $0x15, v11  }
0xd4: {  	v0 =	vsel vm0, v0, v40;
	v47 =	vor.u32 $0x25, v22;
	v62 =	vor.u32 $0x2C, v22;
	[tilespmem:$0x1FBF0] =	vst v54;
	v19 =	vld.idx.msk [tilespmem:v58+s2+$0x0], $0xffff  }
0xd5: {  	[tilespmem:$0x1FCC0] =	vst v62;
	v54 =	vor.u32 $0x2D, v22;
	v28 =	vsel vm3, v36, v28;
	vm3 =	vnez.u8 v8;
	v8 =	vld [tilespmem:$0x1FFC0]  }
0xd6: {  	v56 =	vor.u32 $0x6, v22;
	v62 =	vsel vm0, v33, v30;
	[tilespmem:$0x1FCD0] =	vst v54;
	v54 =	vimm.s32 $0xE;
	v52 =	vld.idx.msk [tilespmem:v4+s2+$0x0], $0xffff  }
0xd7: {  	v4 =	vor.u32 $0x19, v11;
	v36 =	vsel vm3, $0xF, v54;
	vm3 =	vgt.f32 v53, v62;
	v53 =	vld [tilespmem:$0x1FFD0]  }
0xd8: {  	vm1 =	vgt.f32 v42, v25;
	v1 =	vsel vm8, v45, v1;
	v45 =	vld.idx.msk [tilespmem:v5+s2+$0x0], $0xffff;
	v62 =	vor.u32 $0x1B, v11  }
0xd9: {  	v25 =	vsel vm1, v42, v25;
	v40 =	vsel vm15, v50, v51;
	v50 =	vsel vm2, v21, v20;
	v20 =	vld.idx.msk [tilespmem:v48+s2+$0x0], $0xffff  }
0xda: {  	v51 =	vor.u32 $0x2, v22;
	v48 =	vld [tilespmem:$0x1FFE0];
	v7 =	vsel vm1, v7, v40;
	vm0 =	vnez.u8 v8  }
0xdb: {  	v17 =	vld.idx.msk [tilespmem:v6+s2+$0x0], $0xffff;
	vm1 =	vgt.f32 v10, $5.000000000e-01;
	v15 =	vsel vm0, v15, v16;
	v16 =	vor.u32 $0x1A, v11  }
0xdc: {  	v41 =	vld.idx.msk [tilespmem:v4+s2+$0x0], $0xffff;
	v0 =	vsel vm3, v1, v0;
	vm0 =	vnez.u8 v53;
	v53 =	vor.u32 $0x1F, v11  }
0xdd: {  	v26 =	vld.idx.msk [tilespmem:v62+s2+$0x0], $0xffff;
	v62 =	vor.u32 $0x20, v11;
	v5 =	vsel vm0, v36, v12;
	v36 =	vshll.u32 v28, $0x4  }
0xde: {  	v8 =	vld [tilespmem:$0x1F740];
	vm0 =	vgt.f32 v50, v25;
	v25 =	vor.u32 $0x1D, v11;
	v50 =	vsel vm2, v5, v15  }
0xdf: {  	[tilespmem:$0x1FDD0] =	vst v51;
	v0 =	vor.u32 v0, v36;
	v15 =	vor.u32 $0x1E, v11;
	v5 =	vld [tilespmem:$0x1FF90];
	v51 =	vsel vm0, v50, v7  }
0xe0: {  	vm2 =	vnez.u8 v48;
	vm0 =	vgt.f32 v9, $5.000000000e-01;
	v29 =	vld.idx.msk [tilespmem:v16+s2+$0x0], $0xffff;
	v16 =	vshll.u32 v0, v51  }
0xe1: {  	[tilespmem:$0x1F8D0] =	vst v32;
	v9 =	vld [tilespmem:$0x1F760];
	vm1 =	vmor vm0, vm1;
	v0 =	vshrl.u32 v0, v51;
	v4 =	vand.u32 $0xFF, v16  }
0xe2: {  	[tilespmem:$0x1F8E0] =	vst v38;
	v10 =	vor.u32 $0x21, v11;
	v50 =	vld.idx.msk [tilespmem:v53+s2+$0x0], $0xffff;
	vm1 =	vmand vm2, vm1;
	v0 =	vsel vm0, v4, v0  }
0xe3: {  	[tilespmem:$0x1FBD0] =	vst v47;
	v40 =	vld.idx.msk [tilespmem:v25+s2+$0x0], $0xffff;
	vm0 =	vge.f32 v49, $5.000000000e-01;
	v25 =	vand.u32 $0xF, v0;
	v28 =	vshrl.u32 v0, $0x4  }
0xe4: {  	[tilespmem:$0x1F750] =	vst v63;
	v36 =	vld.idx.msk [tilespmem:v15+s2+$0x0], $0xffff;
	v49 =	vimm.s32 $0x0;
	v15 =	vor.u32 v5, v25;
	v25 =	vadd.s32 v5, v28  }
0xe5: {  	[tilespmem:$0x1F9C0] =	vst v56;
	v6 =	vor.u32 $0x16, v11;
	v0 =	vsel vm1, $0xFFFFFFFF, v49;
	v49 =	vld [tilespmem:$0x1F750];
	v53 =	vadd.s32 $0x43, v25  }
0xe6: {  	[tilespmem:$0x1FE50] =	vst v53;
	v53 =	vld.idx.msk [tilespmem:v62+s2+$0x0], $0xffff;
	v62 =	vor.u32 $0x1, v11  }
0xe7: {  	[tilespmem:$0x1FC20] =	vst v62;
	v62 =	vld.idx.msk [tilespmem:v10+s2+$0x0], $0xffff  }
0xe8: {  	v60 =	vor.u32 $0x2E, v11;
	[tilespmem:$0x1FC50] =	vst v2;
	v51 =	vadd.s32 $0x33, v15;
	v10 =	vld [tilespmem:$0x1F770]  }
0xe9: {  	v63 =	vor.u32 $0x30, v11;
	v58 =	vor.u32 $0x2A, v22;
	[tilespmem:$0x1FE20] =	vst v51;
	v51 =	vld [tilespmem:$0x1F780]  }
0xea: {  	v38 =	vor.u32 $0x32, v11;
	v59 =	vor.u32 $0x6, v11;
	[tilespmem:$0x1FC40] =	vst v58;
	v44 =	vld.idx.msk [tilespmem:v6+s2+$0x0], $0xffff;
	v6 =	vmov v22  }
0xeb: {  	v56 =	vor.u32 $0x5, v11;
	[tilespmem:$0x1FF90] =	vst v6;
	vm1 =	vmmov vm0;
	v5 =	vimm.s32 $0x0  }
0xec: {  	v6 =	vimm.s32 $0x0;
	[tilespmem:$0x1FE10] =	vst v0;
	v0 =	vsel vm1, $0xFFFFFFFF, v5;
	vm12 =	vgt.f32 v8, v49  }
0xed: {  	v27 =	vld.idx.msk [tilespmem:v60+s2+$0x0], $0xffff;
	v7 =	vimm.s32 $0x0;
	[tilespmem:$0x1FFE0] =	vst v0;
	v0 =	vsel vm12, $0xFFFFFFFF, v6;
	vm3 =	vgt.f32 v10, v9  }
0xee: {  	v32 =	vld.idx.msk [tilespmem:v63+s2+$0x0], $0xffff;
	v12 =	vimm.s32 $0x0;
	[tilespmem:$0x1F8F0] =	vst v0;
	vm4 =	vgt.f32 v14, v51;
	v0 =	vsel vm3, $0xFFFFFFFF, v7  }
0xef: {  	v2 =	vor.u32 $0x8, v11;
	v60 =	vor.u32 $0x2B, v22;
	[tilespmem:$0x1F900] =	vst v0;
	v0 =	vsel vm4, $0xFFFFFFFF, v12;
	v12 =	vld [tilespmem:$0x1F790]  }
0xf0: {  	v3 =	vor.u32 $0x9, v11;
	v47 =	vld.idx.msk [tilespmem:v38+s2+$0x0], $0xffff;
	[tilespmem:$0x1FC70] =	vst v60;
	v63 =	vor.u32 $0x7, v11;
	v4 =	vor.u32 $0x2, v11  }
0xf1: {  	v38 =	vld.idx.msk [tilespmem:v56+s2+$0x0], $0xffff;
	v56 =	vor.u32 $0xC, v11;
	vm15 =	vgt.f32 v35, v61;
	v48 =	vimm.s32 $0x0;
	[tilespmem:$0x1FC30] =	vst v4  }
0xf2: {  	vm10 =	vgt.f32 v19, v13;
	v4 =	vimm.s32 $0x0;
	[tilespmem:$0x1F910] =	vst v0;
	v0 =	vsel vm15, $0xFFFFFFFF, v48  }
0xf3: {  	v58 =	vld.idx.msk [tilespmem:v59+s2+$0x0], $0xffff;
	vm11 =	vgt.f32 v27, v23;
	v5 =	vimm.s32 $0x0;
	[tilespmem:$0x1F930] =	vst v0;
	v0 =	vsel vm10, $0xFFFFFFFF, v4  }
0xf4: {  	v30 =	vld.idx.msk [tilespmem:v2+s2+$0x0], $0xffff;
	vm1 =	vgt.f32 v32, v31;
	v6 =	vimm.s32 $0x0;
	[tilespmem:$0x1F940] =	vst v0;
	v0 =	vsel vm11, $0xFFFFFFFF, v5  }
0xf5: {  	v60 =	vld.idx.msk [tilespmem:v63+s2+$0x0], $0xffff;
	v7 =	vimm.s32 $0x0;
	[tilespmem:$0x1F950] =	vst v0;
	v0 =	vsel vm1, $0xFFFFFFFF, v6;
	vm1 =	vgt.f32 v47, v46  }
0xf6: {  	v6 =	vld [tilespmem:$0x1F7A0];
	[tilespmem:$0x1F810] =	vst v0;
	v0 =	vsel vm1, $0xFFFFFFFF, v7  }
0xf7: {  	v55 =	vor.u32 $0x16, v22;
	[tilespmem:$0x1F820] =	vst v0;
	v0 =	vld.idx.msk [tilespmem:v12+s2+$0x0], $0xffff  }
0xf8: {  	[tilespmem:$0x1F7B0] =	vst v55;
	v55 =	vor.u32 $0x5, v22;
	v33 =	vld.idx.msk [tilespmem:v3+s2+$0x0], $0xffff;
	v59 =	vor.u32 $0xE, v11  }
0xf9: {  	[tilespmem:$0x1F9B0] =	vst v55;
	v55 =	vor.u32 $0x28, v22;
	v63 =	vld.idx.msk [tilespmem:v56+s2+$0x0], $0xffff  }
0xfa: {  	[tilespmem:$0x1FC00] =	vst v55;
	v55 =	vor.u32 $0x2E, v22  }
0xfb: {  	[tilespmem:$0x1FD00] =	vst v55;
	v55 =	vor.u32 $0x10, v11;
	vm5 =	vgt.f32 v58, v38;
	v48 =	vimm.s32 $0x0  }
0xfc: {  	v4 =	vimm.s32 $0x0;
	vm1 =	vgt.f32 v30, v60;
	[tilespmem:$0x1FC60] =	vst v0;
	v0 =	vsel vm5, $0xFFFFFFFF, v48  }
0xfd: {  	v59 =	vld.idx.msk [tilespmem:v59+s2+$0x0], $0xffff;
	vm2 =	vgt.f32 v34, v33;
	v5 =	vimm.s32 $0x0;
	[tilespmem:$0x1F980] =	vst v0;
	v0 =	vsel vm1, $0xFFFFFFFF, v4  }
0xfe: {  	vm6 =	vgt.f32 v63, v39;
	v15 =	vmov v63;
	v63 =	vld [tilespmem:$0x1F7B0];
	[tilespmem:$0x1F990] =	vst v0;
	v0 =	vsel vm2, $0xFFFFFFFF, v5  }
0xff: {  	v3 =	vor.u32 $0x13, v11;
	[tilespmem:$0x1F9A0] =	vst v0;
	v0 =	vld.idx.msk [tilespmem:v6+s2+$0x0], $0xffff  }
0x100: {  	v2 =	vor.u32 $0x12, v11;
	v56 =	vld.idx.msk [tilespmem:v55+s2+$0x0], $0xffff;
	_ =	sdelay $0x2  }
0x101: {  	v7 =	vimm.s32 $0x0  }
0x102: {  	v55 =	vld.idx.msk [tilespmem:v3+s2+$0x0], $0xffff;
	v12 =	vimm.s32 $0x0;
	[tilespmem:$0x1FC80] =	vst v0;
	v0 =	vsel vm6, $0xFFFFFFFF, v7;
	vm6 =	vgt.f32 v59, v18  }
0x103: {  	v54 =	vld.idx.msk [tilespmem:v2+s2+$0x0], $0xffff;
	v48 =	vimm.s32 $0x0;
	[tilespmem:$0x1F850] =	vst v0;
	v0 =	vsel vm6, $0xFFFFFFFF, v12;
	vm6 =	vgt.f32 v56, v57  }
0x104: {  	v7 =	vld [tilespmem:$0x1F7C0];
	[tilespmem:$0x1F860] =	vst v0;
	v0 =	vsel vm6, $0xFFFFFFFF, v48  }
0x105: {  	[tilespmem:$0x1F870] =	vst v0;
	v0 =	vld.idx.msk [tilespmem:v63+s2+$0x0], $0xffff;
	_ =	sdelay $0x3  }
0x106: {  	v4 =	vimm.s32 $0x0;
	vm6 =	vgt.f32 v54, v17  }
0x107: {  	v5 =	vimm.s32 $0x0;
	v12 =	vld [tilespmem:$0x1F7D0];
	[tilespmem:$0x1FC90] =	vst v0;
	v0 =	vsel vm6, $0xFFFFFFFF, v4;
	vm6 =	vgt.f32 v52, v55  }
0x108: {  	v6 =	vimm.s32 $0x0;
	[tilespmem:$0x1F890] =	vst v0;
	v0 =	vsel vm6, $0xFFFFFFFF, v5;
	vm6 =	vgt.f32 v44, v45  }
0x109: {  	[tilespmem:$0x1F8A0] =	vst v0;
	v0 =	vsel vm6, $0xFFFFFFFF, v6  }
0x10a: {  	[tilespmem:$0x1F8B0] =	vst v0;
	v0 =	vld.idx.msk [tilespmem:v7+s2+$0x0], $0xffff;
	_ =	sdelay $0x1  }
0x10b: {  	v48 =	vld [tilespmem:$0x1F7E0];
	_ =	sdelay $0x2  }
0x10c: {  	[tilespmem:$0x1FCA0] =	vst v0;
	v0 =	vld.idx.msk [tilespmem:v12+s2+$0x0], $0xffff;
	_ =	sdelay $0x1  }
0x10d: {  	v7 =	vld [tilespmem:$0x1F7F0];
	_ =	sdelay $0x2  }
0x10e: {  	[tilespmem:$0x1FCB0] =	vst v0;
	v0 =	vld.idx.msk [tilespmem:v48+s2+$0x0], $0xffff;
	_ =	sdelay $0x3  }
0x10f: {  	v3 =	vor.u32 $0x18, v11  }
0x110: {  	[tilespmem:$0x1FCE0] =	vst v0;
	v0 =	vld.idx.msk [tilespmem:v7+s2+$0x0], $0xffff  }
0x111: {  	v2 =	vor.u32 $0x17, v11  }
0x112: {  	v4 =	vimm.s32 $0x0  }
0x113: {  	v63 =	vsel vm12, $0x1, v4  }
0x114: {  	v42 =	vld.idx.msk [tilespmem:v3+s2+$0x0], $0xffff;
	v3 =	vimm.s32 $0x2;
	[tilespmem:$0x1FA40] =	vst v63  }
0x115: {  	v5 =	vsel vm3, $0x3, v3;
	[tilespmem:$0x1FCF0] =	vst v0;
	v0 =	vimm.s32 $0x6  }
0x116: {  	v24 =	vor.u32 $0x3, v11;
	v43 =	vld.idx.msk [tilespmem:v2+s2+$0x0], $0xffff;
	[tilespmem:$0x1FA50] =	vst v5;
	v5 =	vimm.s32 $0xA;
	v12 =	vsel vm15, $0x7, v0  }
0x117: {  	v2 =	vimm.s32 $0x8;
	v63 =	vsel vm11, $0xB, v5;
	[tilespmem:$0x1FA70] =	vst v12;
	v12 =	vld [tilespmem:$0x1F800]  }
0x118: {  	[tilespmem:$0x1FA90] =	vst v63;
	v63 =	vld [tilespmem:$0x1F820];
	v48 =	vsel vm10, $0x9, v2  }
0x119: {  	[tilespmem:$0x1FA80] =	vst v48;
	v48 =	vld [tilespmem:$0x1F810];
	_ =	sdelay $0x1  }
0x11a: {  	v24 =	vld.idx.msk [tilespmem:v24+s2+$0x0], $0xffff;
	_ =	sdelay $0x1  }
0x11b: {  	v1 =	vimm.s32 $0x4;
	vm10 =	vnez.u8 v63;
	v63 =	vld [tilespmem:$0x1F840]  }
0x11c: {  	v6 =	vsel vm4, $0x5, v1;
	vm11 =	vnez.u8 v48;
	v48 =	vld [tilespmem:$0x1F830]  }
0x11d: {  	[tilespmem:$0x1FA60] =	vst v6;
	v6 =	vld.idx.msk [tilespmem:v12+s2+$0x0], $0xffff  }
0x11e: {  	vm0 =	vgt.f32 v37, v24  }
0x11f: {  	v4 =	vsel vm0, $0x1, v4  }
0x120: {  	[tilespmem:$0x1FAB0] =	vst v4;
	v1 =	vsel vm1, $0x5, v1  }
0x121: {  	v4 =	vimm.s32 $0xC;
	[tilespmem:$0x1FAD0] =	vst v1  }
0x122: {  	[tilespmem:$0x1FD30] =	vst v6;
	v6 =	vsel vm11, $0xD, v4  }
0x123: {  	v1 =	vld.idx.msk [tilespmem:v63+s2+$0x0], $0xffff;
	[tilespmem:$0x1FAF0] =	vst v6;
	v6 =	vimm.s32 $0xE  }
0x124: {  	v63 =	vld [tilespmem:$0x1F860];
	v12 =	vsel vm10, $0xF, v6  }
0x125: {  	[tilespmem:$0x1FB00] =	vst v12;
	v12 =	vld.idx.msk [tilespmem:v48+s2+$0x0], $0xffff  }
0x126: {  	v48 =	vld [tilespmem:$0x1F850]  }
0x127: {  	v16 =	vor.u32 $0x22, v11;
	_ =	sdelay $0x1  }
0x128: {  	vm4 =	vnez.u8 v63;
	v63 =	vld [tilespmem:$0x1F880];
	_ =	sdelay $0x1  }
0x129: {  	v3 =	vsel vm5, $0x3, v3;
	vm5 =	vnez.u8 v48;
	v48 =	vld [tilespmem:$0x1F870]  }
0x12a: {  	v21 =	vld.idx.msk [tilespmem:v16+s2+$0x0], $0xffff  }
0x12b: {  	vm9 =	vgt.f32 v42, v43  }
0x12c: {  	vm12 =	vmmov vm9  }
0x12d: {  	v43 =	vsel vm12, v42, v43;
	v42 =	vld [tilespmem:$0x1FA90]  }
0x12e: {  	vm14 =	vgt.f32 v20, v26;
	vm7 =	vgt.f32 v53, v50;
	[tilespmem:$0x1FAC0] =	vst v3;
	vm3 =	vnez.u8 v48;
	v48 =	vld [tilespmem:$0x1F8A0]  }
0x12f: {  	vm8 =	vgt.f32 v21, v62;
	v50 =	vsel vm7, v53, v50;
	[tilespmem:$0x1FD60] =	vst v1;
	v1 =	vsel vm5, $0x9, v2;
	v2 =	vld.idx.msk [tilespmem:v63+s2+$0x0], $0xffff  }
0x130: {  	v53 =	vsel vm8, v21, v62;
	vm6 =	vgt.f32 v36, v40;
	v63 =	vld [tilespmem:$0x1F8B0];
	[tilespmem:$0x1FB20] =	vst v1;
	v1 =	vsel vm4, $0xB, v5  }
0x131: {  	v3 =	vimm.s32 $0x8;
	v5 =	vimm.s32 $0xA;
	[tilespmem:$0x1FB30] =	vst v1;
	v1 =	vsel vm3, $0xD, v4;
	v4 =	vld [tilespmem:$0x1F890]  }
0x132: {  	v7 =	vimm.s32 $0x0;
	[tilespmem:$0x1FD40] =	vst v12;
	v12 =	vimm.s32 $0x4;
	v22 =	vsel vm6, $0xB, v5;
	v5 =	vld [tilespmem:$0x1F920]  }
0x133: {  	vm1 =	vnez.u8 v48;
	v48 =	vsel vm14, $0x9, v3;
	v3 =	vsel vm5, v15, v39;
	v39 =	vld [tilespmem:$0x1FA70]  }
0x134: {  	v16 =	vmovc v18;
	v18 =	vimm.s32 $0x2;
	[tilespmem:$0x1FD70] =	vst v2;
	v2 =	vsel vm1, $0x1, v7;
	v7 =	vsel vm9, $0x5, v12;
	v12 =	vld [tilespmem:$0x1F8D0]  }
0x135: {  	vm15 =	vmmov vm0;
	v52 =	vsel vm1, v52, v55;
	v55 =	vsel vm6, v36, v40;
	v36 =	vld [tilespmem:$0x1FA40]  }
0x136: {  	v0 =	vsel vm2, $0x7, v0;
	vm0 =	vnez.u8 v63;
	vm2 =	vnez.u8 v4;
	v40 =	vld [tilespmem:$0x1FA80]  }
0x137: {  	v57 =	vsel vm3, v56, v57;
	[tilespmem:$0x1FB40] =	vst v1;
	v1 =	vimm.s32 $0xC;
	v25 =	vsel vm2, $0xF, v6;
	v6 =	vld [tilespmem:$0x1F8C0]  }
0x138: {  	v28 =	vsel vm7, $0xD, v1;
	v4 =	vimm.s32 $0xE;
	vm9 =	vmmov vm14;
	[tilespmem:$0x1FB80] =	vst v7;
	v7 =	vld [tilespmem:$0x1F8F0]  }
0x139: {  	[tilespmem:$0x1FB50] =	vst v2;
	v2 =	vsel vm0, $0x3, v18;
	v18 =	vsel vm8, $0xF, v4;
	v4 =	vld [tilespmem:$0x1F910];
	v54 =	vsel vm2, v54, v17  }
0x13a: {  	vm7 =	vgt.f32 v53, v50;
	v26 =	vsel vm9, v20, v26;
	v20 =	vld [tilespmem:$0x1F9E0];
	vm3 =	vgt.f32 v54, v57  }
0x13b: {  	vm6 =	vgt.f32 v55, v26;
	v18 =	vsel vm7, v18, v28;
	v28 =	vsel vm7, v53, v50;
	v50 =	vld [tilespmem:$0x1FC40]  }
0x13c: {  	v59 =	vsel vm4, v59, v16;
	v16 =	vsel vm6, v22, v48;
	v48 =	vsel vm3, v54, v57;
	v54 =	vld [tilespmem:$0x1FBD0]  }
0x13d: {  	vm13 =	vgt.f32 v29, v41;
	[tilespmem:$0x1FAE0] =	vst v0;
	v0 =	vimm.s32 $0x6;
	v22 =	vsel vm6, v55, v26;
	v55 =	vld [tilespmem:$0x1FBE0]  }
0x13e: {  	v63 =	vsel vm13, $0x7, v0;
	v0 =	vld.idx.msk [tilespmem:v12+s2+$0x0], $0xffff  }
0x13f: {  	v12 =	vld [tilespmem:$0x1F900]  }
0x140: {  	[tilespmem:$0x1FB60] =	vst v2;
	v2 =	vld.idx.msk [tilespmem:v6+s2+$0x0], $0xffff  }
0x141: {  	v6 =	vld [tilespmem:$0x1F8E0]  }
0x142: {  	v57 =	vld [tilespmem:$0x1FBF0]  }
0x143: {  	vm14 =	vnez.u8 v7;
	v7 =	vld [tilespmem:$0x1F940]  }
0x144: {  	v20 =	vld.idx.msk [tilespmem:v20+s2+$0x0], $0xffff  }
0x145: {  	v49 =	vsel vm14, v8, v49;
	v26 =	vld.idx.msk [tilespmem:v54+s2+$0x0], $0xffff;
	vm14 =	vnez.u8 v12  }
0x146: {  	v54 =	vld [tilespmem:$0x1FCC0];
	v10 =	vsel vm14, v10, v9;
	vm14 =	vnez.u8 v4  }
0x147: {  	v12 =	vsel vm14, v14, v51;
	v14 =	vld [tilespmem:$0x1F960]  }
0x148: {  	v4 =	vsel vm15, v37, v24;
	v37 =	vld [tilespmem:$0x1F990]  }
0x149: {  	[tilespmem:$0x1FD90] =	vst v0;
	v0 =	vld.idx.msk [tilespmem:v6+s2+$0x0], $0xffff  }
0x14a: {  	v6 =	vld [tilespmem:$0x1F930]  }
0x14b: {  	v51 =	vld.idx.msk [tilespmem:v5+s2+$0x0], $0xffff  }
0x14c: {  	v44 =	vsel vm0, v44, v45;
	v5 =	vsel vm10, v47, v46;
	v46 =	vld [tilespmem:$0x1F9B0]  }
0x14d: {  	vm4 =	vgt.f32 v44, v52;
	v47 =	vld [tilespmem:$0x1F9C0];
	vm8 =	vgt.f32 v10, v49  }
0x14e: {  	v10 =	vsel vm8, v10, v49;
	v49 =	vsel vm4, v44, v52;
	v52 =	vld [tilespmem:$0x1FBC0]  }
0x14f: {  	[tilespmem:$0x1FDB0] =	vst v0;
	vm14 =	vnez.u8 v6;
	v0 =	vld.idx.msk [tilespmem:v14+s2+$0x0], $0xffff  }
0x150: {  	v8 =	vsel vm14, v35, v61;
	vm14 =	vnez.u8 v7;
	v7 =	vsel vm11, v32, v31;
	v32 =	vld [tilespmem:$0x1F970]  }
0x151: {  	v35 =	vld [tilespmem:$0x1F980]  }
0x152: {  	v29 =	vsel vm13, v29, v41;
	v61 =	vld [tilespmem:$0x1F9D0]  }
0x153: {  	vm5 =	vgt.f32 v29, v43;
	v9 =	vsel vm14, v19, v13;
	v13 =	vld [tilespmem:$0x1F950]  }
0x154: {  	v19 =	vsel vm5, v29, v43;
	v29 =	vld.idx.msk [tilespmem:v55+s2+$0x0], $0xffff  }
0x155: {  	v43 =	vld [tilespmem:$0x1FC20]  }
0x156: {  	vm10 =	vnez.u8 v35;
	v35 =	vld [tilespmem:$0x1FA30]  }
0x157: {  	[tilespmem:$0x1FD80] =	vst v2;
	v2 =	vsel vm10, v58, v38;
	v38 =	vld [tilespmem:$0x1F9A0]  }
0x158: {  	v58 =	vld.idx.msk [tilespmem:v47+s2+$0x0], $0xffff  }
0x159: {  	vm10 =	vnez.u8 v37;
	v37 =	vld [tilespmem:$0x1FA50]  }
0x15a: {  	v1 =	vsel vm10, v30, v60;
	v60 =	vld.idx.msk [tilespmem:v46+s2+$0x0], $0xffff  }
0x15b: {  	v46 =	vld [tilespmem:$0x1FAA0]  }
0x15c: {  	v30 =	vld.idx.msk [tilespmem:v57+s2+$0x0], $0xffff  }
0x15d: {  	v57 =	vld [tilespmem:$0x1FD30]  }
0x15e: {  	[tilespmem:$0x1FDE0] =	vst v0;
	v0 =	vld.idx.msk [tilespmem:v32+s2+$0x0], $0xffff  }
0x15f: {  	v56 =	vld.idx.msk [tilespmem:v61+s2+$0x0], $0xffff  }
0x160: {  	v32 =	vld [tilespmem:$0x1FA00]  }
0x161: {  	vm14 =	vnez.u8 v13;
	v13 =	vld.idx.msk [tilespmem:v43+s2+$0x0], $0xffff  }
0x162: {  	v43 =	vld [tilespmem:$0x1FD80]  }
0x163: {  	vm10 =	vnez.u8 v38;
	v38 =	vld [tilespmem:$0x1FA60]  }
0x164: {  	v47 =	vsel vm8, v37, v36;
	v37 =	vld [tilespmem:$0x1FAE0]  }
0x165: {  	[tilespmem:$0x1FDF0] =	vst v0;
	v0 =	vsel vm10, v34, v33;
	v33 =	vld [tilespmem:$0x1FA10]  }
0x166: {  	v6 =	vsel vm14, v27, v23;
	v34 =	vld [tilespmem:$0x1FA20]  }
0x167: {  	vm10 =	vgt.f32 v6, v9;
	v45 =	vld.idx.msk [tilespmem:v35+s2+$0x0], $0xffff  }
0x168: {  	v42 =	vsel vm10, v42, v40;
	v40 =	vld [tilespmem:$0x1FB10]  }
0x169: {  	v61 =	vld.idx.msk [tilespmem:v32+s2+$0x0], $0xffff  }
0x16a: {  	vm9 =	vgt.f32 v8, v12;
	v32 =	vld [tilespmem:$0x1FAB0]  }
0x16b: {  	v41 =	vsel vm9, v39, v38;
	v38 =	vld [tilespmem:$0x1FAF0]  }
0x16c: {  	v39 =	vld [tilespmem:$0x1FB00]  }
0x16d: {  	v27 =	vld.idx.msk [tilespmem:v33+s2+$0x0], $0xffff  }
0x16e: {  	v17 =	vld.idx.msk [tilespmem:v34+s2+$0x0], $0xffff  }
0x16f: {  	v34 =	vld [tilespmem:$0x1FAD0]  }
0x170: {  	v33 =	vld [tilespmem:$0x1FAC0]  }
0x171: {  	v35 =	vld.idx.msk [tilespmem:v46+s2+$0x0], $0xffff  }
0x172: {  	vm11 =	vgt.f32 v5, v7;
	v46 =	vld [tilespmem:$0x1FB20]  }
0x173: {  	vm1 =	vgt.f32 v0, v1;
	v38 =	vsel vm11, v39, v38;
	v39 =	vld [tilespmem:$0x1FB50]  }
0x174: {  	vm0 =	vgt.f32 v2, v4;
	v34 =	vsel vm1, v37, v34;
	v37 =	vld.idx.msk [tilespmem:v40+s2+$0x0], $0xffff  }
0x175: {  	v36 =	vsel vm0, v33, v32;
	v33 =	vld [tilespmem:$0x1FB40]  }
0x176: {  	v32 =	vld [tilespmem:$0x1FB30]  }
0x177: {  	v40 =	vld [tilespmem:$0x1FB60]  }
0x178: {  	v0 =	vsel vm1, v0, v1;
	v1 =	vld.idx.msk [tilespmem:v52+s2+$0x0], $0xffff  }
0x179: {  	v52 =	vld [tilespmem:$0x1FC70]  }
0x17a: {  	vm2 =	vgt.f32 v59, v3;
	v25 =	vsel vm3, v25, v33;
	v33 =	vld [tilespmem:$0x1FB90]  }
0x17b: {  	v3 =	vsel vm2, v59, v3;
	v31 =	vsel vm2, v32, v46;
	v32 =	vld [tilespmem:$0x1FB80]  }
0x17c: {  	v8 =	vsel vm9, v8, v12;
	v2 =	vsel vm0, v2, v4;
	v24 =	vsel vm4, v40, v39;
	v40 =	vld [tilespmem:$0x1FBB0]  }
0x17d: {  	v7 =	vsel vm11, v5, v7;
	v9 =	vsel vm10, v6, v9;
	vm0 =	vgt.f32 v0, v2;
	v46 =	vld [tilespmem:$0x1FB70]  }
0x17e: {  	vm1 =	vgt.f32 v8, v10;
	v0 =	vsel vm0, v0, v2;
	v39 =	vld [tilespmem:$0x1FBA0];
	vm4 =	vgt.f32 v19, v49  }
0x17f: {  	v8 =	vsel vm1, v8, v10;
	vm3 =	vgt.f32 v48, v3;
	v10 =	vsel vm4, v19, v49;
	v49 =	vld.idx.msk [tilespmem:v11+s2+$0x0], $0xffff  }
0x180: {  	v3 =	vsel vm3, v48, v3;
	v21 =	vsel vm5, v63, v32;
	v63 =	vsel vm1, v41, v47;
	v41 =	vld [tilespmem:$0x1FC10]  }
0x181: {  	vm2 =	vgt.f32 v7, v9;
	vm5 =	vgt.f32 v28, v22;
	vm1 =	vgt.f32 v3, v0;
	v3 =	vld.idx.msk [tilespmem:v50+s2+$0x0], $0xffff  }
0x182: {  	v59 =	vsel vm0, v34, v36;
	v14 =	vld.idx.msk [tilespmem:v33+s2+$0x0], $0xffff;
	v33 =	vsel vm2, v38, v42;
	v42 =	vsel vm5, v28, v22  }
0x183: {  	v19 =	vsel vm4, v21, v24;
	v15 =	vsel vm5, v18, v16;
	v21 =	vld [tilespmem:$0x1FC50];
	vm0 =	vgt.f32 v42, v10  }
0x184: {  	v48 =	vsel vm2, v7, v9;
	v23 =	vld.idx.msk [tilespmem:v40+s2+$0x0], $0xffff;
	v40 =	vsel vm3, v25, v31;
	v47 =	vsel vm0, v15, v19  }
0x185: {  	v18 =	vld [tilespmem:$0x1FC60];
	v2 =	vsel vm1, v40, v59;
	vm0 =	vgt.f32 v48, v8;
	v0 =	vshll.u32 v47, $0x4  }
0x186: {  	v24 =	vld [tilespmem:$0x1FC90];
	v8 =	vsel vm0, v33, v63;
	v0 =	vor.u32 v2, v0  }
0x187: {  	v6 =	vld.idx.msk [tilespmem:v39+s2+$0x0], $0xffff;
	v9 =	vshll.u32 v0, v8  }
0x188: {  	v39 =	vld [tilespmem:$0x1FC00];
	vm1 =	vgt.f32 v13, $5.000000000e-01;
	v0 =	vshrl.u32 v0, v8;
	v9 =	vand.u32 $0xFF, v9  }
0x189: {  	v0 =	vsel vm1, v9, v0;
	v9 =	vld [tilespmem:$0x1FD00]  }
0x18a: {  	v22 =	vld [tilespmem:$0x1FC80]  }
0x18b: {  	v25 =	vld [tilespmem:$0x1FCA0]  }
0x18c: {  	v28 =	vld [tilespmem:$0x1FCB0]  }
0x18d: {  	v10 =	vld [tilespmem:$0x1FC30]  }
0x18e: {  	v59 =	vld [tilespmem:$0x1FD40]  }
0x18f: {  	v42 =	vld [tilespmem:$0x1FD70]  }
0x190: {  	v63 =	vld [tilespmem:$0x1FD60]  }
0x191: {  	v13 =	vld.idx.msk [tilespmem:v9+s2+$0x0], $0xffff  }
0x192: {  	v9 =	vld [tilespmem:$0x1FD10]  }
0x193: {  	vm3 =	vgt.f32 v18, v21;
	v2 =	vld.idx.msk [tilespmem:v52+s2+$0x0], $0xffff  }
0x194: {  	v53 =	vimm.s32 $0x0;
	v21 =	vsel vm3, v18, v21;
	v18 =	vld [tilespmem:$0x1FDB0]  }
0x195: {  	v50 =	vimm.s32 $0x0;
	vm6 =	vge.f32 v49, $5.000000000e-01;
	v5 =	vld.idx.msk [tilespmem:v41+s2+$0x0], $0xffff;
	vm0 =	vgt.f32 v28, v25  }
0x196: {  	v49 =	vimm.s32 $0x0;
	vm5 =	vgt.f32 v58, v60;
	v8 =	vld [tilespmem:$0x1FCD0];
	v12 =	vsel vm0, $0xFFFFFFFF, v53  }
0x197: {  	v60 =	vsel vm5, v58, v60;
	v40 =	vimm.s32 $0x0;
	vm2 =	vgt.f32 v24, v22;
	[tilespmem:$0x1FE00] =	vst v12;
	v12 =	vld.idx.msk [tilespmem:v54+s2+$0x0], $0xffff  }
0x198: {  	v52 =	vimm.s32 $0x0;
	v41 =	vimm.s32 $0x0;
	v22 =	vsel vm2, v24, v22;
	v4 =	vld.idx.msk [tilespmem:v39+s2+$0x0], $0xffff  }
0x199: {  	v24 =	vsel vm0, v28, v25;
	vm0 =	vgt.f32 v20, v56;
	v53 =	vimm.s32 $0x0;
	v10 =	vld.idx.msk [tilespmem:v10+s2+$0x0], $0xffff  }
0x19a: {  	v54 =	vimm.s32 $0x0;
	vm9 =	vgt.f32 v22, v21;
	v20 =	vsel vm0, v20, v56;
	v15 =	vld.idx.msk [tilespmem:v9+s2+$0x0], $0xffff  }
0x19b: {  	v55 =	vand.u32 $0xF, v0;
	v0 =	vshrl.u32 v0, $0x4;
	vm7 =	vgt.f32 v42, v63;
	v9 =	vld [tilespmem:$0x1FD20]  }
0x19c: {  	v47 =	vld [tilespmem:$0x1FD90];
	v39 =	vimm.f32 $2.000000000e+00;
	v7 =	vor.u32 v11, v55;
	v0 =	vadd.s32 v11, v0  }
0x19d: {  	vm8 =	vgt.f32 v51, v18;
	v55 =	vimm.s32 $0x0;
	v7 =	vadd.s32 $0x33, v7  }
0x19e: {  	v31 =	vld [tilespmem:$0x1FCF0];
	v0 =	vadd.s32 $0x43, v0;
	v34 =	vsel vm8, v51, v18;
	vm4 =	vgt.f32 v10, $5.000000000e-01  }
0x19f: {  	v51 =	vimm.s32 $0x2;
	vm11 =	vgt.f32 v3, v5;
	v10 =	vld [tilespmem:$0x1FCE0];
	vm1 =	vmor vm1, vm4  }
0x1a0: {  	v3 =	vsel vm11, v3, v5;
	vm13 =	vgt.f32 v4, v30;
	vm4 =	vmand vm6, vm1  }
0x1a1: {  	v46 =	vld.idx.msk [tilespmem:v46+s2+$0x0], $0xffff;
	v4 =	vsel vm13, v4, v30;
	vm1 =	vgt.f32 v59, v57;
	vm6 =	vgt.f32 v47, v43  }
0x1a2: {  	v8 =	vld.idx.msk [tilespmem:v8+s2+$0x0], $0xffff;
	v28 =	vsel vm1, v59, v57;
	v32 =	vsel vm6, v47, v43;
	v47 =	vimm.s32 $0x0  }
0x1a3: {  	v57 =	vimm.s32 $0x0;
	v43 =	vimm.s32 $0x0;
	v16 =	vld.idx.msk [tilespmem:v9+s2+$0x0], $0xffff;
	v9 =	vimm.s32 $0x0  }
0x1a4: {  	vm12 =	vgt.f32 v34, v32;
	vm14 =	vgt.f32 v31, v10;
	v9 =	vsel vm1, $0xFFFFFFFF, v9  }
0x1a5: {  	v25 =	vsel vm14, v31, v10;
	v31 =	vsel vm7, v42, v63;
	v63 =	vimm.s32 $0x0;
	[tilespmem:$0x1FE30] =	vst v9;
	v9 =	vld [tilespmem:$0x1FD50]  }
0x1a6: {  	v42 =	vimm.s32 $0x0;
	vm15 =	vgt.f32 v25, v24;
	vm10 =	vgt.f32 v31, v28;
	[tilespmem:v7+s2+$0x0] =	vst.idx.add.f32.msk vm4, v39  }
0x1a7: {  	[tilespmem:v0+s2+$0x0] =	vst.idx.add.f32.msk vm4, v39;
	v0 =	vsel vm2, $0x3, v51;
	vm2 =	vgt.f32 v35, v45;
	vm4 =	vgt.f32 v46, v37  }
0x1a8: {  	v36 =	vsel vm2, $0xFFFFFFFF, v52;
	v35 =	vsel vm2, v35, v45;
	vm2 =	vgt.f32 v13, v8  }
0x1a9: {  	v45 =	vsel vm9, v22, v21;
	v21 =	vsel vm15, v25, v24;
	v22 =	vsel vm10, v31, v28  }
0x1aa: {  	v62 =	vld [tilespmem:$0x1F9F0];
	v24 =	vsel vm12, v34, v32;
	v52 =	vimm.s32 $0x6;
	vm1 =	vgt.f32 v17, v27  }
0x1ab: {  	v48 =	vld [tilespmem:$0x1FDF0];
	[tilespmem:$0x1FED0] =	vst v36;
	v36 =	vsel vm4, $0xFFFFFFFF, v53;
	v53 =	vimm.s32 $0x8;
	v33 =	vsel vm1, $0xFFFFFFFF, v63  }
0x1ac: {  	v18 =	vld [tilespmem:$0x1FDE0];
	v17 =	vsel vm1, v17, v27;
	v27 =	vsel vm4, v46, v37;
	vm1 =	vgt.f32 v1, v23  }
0x1ad: {  	v37 =	vimm.s32 $0x0;
	v46 =	vsel vm2, v13, v8;
	v11 =	vld.idx.msk [tilespmem:v9+s2+$0x0], $0xffff;
	v9 =	vimm.s32 $0x0  }
0x1ae: {  	[tilespmem:$0x1FEC0] =	vst v36;
	v8 =	vimm.s32 $0x0;
	v9 =	vsel vm7, $0xFFFFFFFF, v9;
	vm7 =	vgt.f32 v6, v14  }
0x1af: {  	v1 =	vsel vm1, v1, v23;
	[tilespmem:$0x1FE40] =	vst v9;
	v9 =	vimm.s32 $0x0;
	v36 =	vsel vm7, $0xFFFFFFFF, v54  }
0x1b0: {  	v6 =	vsel vm7, v6, v14;
	v14 =	vsel vm1, $0xFFFFFFFF, v37;
	vm7 =	vgt.f32 v12, v2  }
0x1b1: {  	vm1 =	vgt.f32 v24, v22;
	v54 =	vimm.s32 $0x0;
	v9 =	vsel vm6, $0xFFFFFFFF, v9;
	[tilespmem:$0x1FEB0] =	vst v36  }
0x1b2: {  	v62 =	vld.idx.msk [tilespmem:v62+s2+$0x0], $0xffff;
	vm6 =	vgt.f32 v48, v18;
	v36 =	vsel vm9, $0xFFFFFFFF, v55;
	v2 =	vsel vm7, v12, v2;
	[tilespmem:$0x1FE60] =	vst v9  }
0x1b3: {  	v10 =	vld [tilespmem:$0x1FDD0];
	v12 =	vsel vm14, $0x7, v52;
	v7 =	vsel vm6, $0xFFFFFFFF, v49;
	[tilespmem:$0x1FE80] =	vst v36;
	v36 =	vsel vm15, $0xFFFFFFFF, v57  }
0x1b4: {  	v9 =	vld [tilespmem:$0x1FDA0];
	v59 =	vsel vm6, v48, v18;
	v18 =	vimm.s32 $0x0;
	[tilespmem:$0x1FEA0] =	vst v7;
	v7 =	vsel vm5, $0xFFFFFFFF, v50  }
0x1b5: {  	vm6 =	vgt.f32 v6, v27;
	v49 =	vld [tilespmem:$0x1FE00];
	v18 =	vsel vm0, $0xFFFFFFFF, v18;
	vm0 =	vgt.f32 v16, v15;
	[tilespmem:$0x1FEE0] =	vst v7  }
0x1b6: {  	v48 =	vimm.s32 $0x4;
	v50 =	vld [tilespmem:$0x1FE10];
	v7 =	vsel vm3, $0x1, v47;
	[tilespmem:$0x1FF00] =	vst v18;
	v8 =	vsel vm0, $0xFFFFFFFF, v8  }
0x1b7: {  	vm3 =	vgt.f32 v61, v62;
	v18 =	vimm.s32 $0x0;
	[tilespmem:$0x1FF70] =	vst v8;
	v8 =	vsel vm0, v16, v15;
	v15 =	vld [tilespmem:$0x1FE30]  }
0x1b8: {  	vm9 =	vgt.f32 v60, v59;
	vm5 =	vgt.f32 v35, v17;
	v18 =	vsel vm3, $0xFFFFFFFF, v18  }
0x1b9: {  	v34 =	vsel vm6, v6, v27;
	v30 =	vsel vm9, v60, v59;
	v16 =	vld [tilespmem:$0x1FE40];
	[tilespmem:$0x1FF10] =	vst v18;
	v18 =	vsel vm3, v61, v62  }
0x1ba: {  	v51 =	vld [tilespmem:$0x1FE20];
	v61 =	vimm.s32 $0x0;
	vm3 =	vgt.f32 v18, v20;
	vm0 =	vnez.u8 v49  }
0x1bb: {  	[tilespmem:$0x1FF20] =	vst v33;
	v59 =	vld [tilespmem:$0x1FEC0];
	v62 =	vimm.s32 $0x0;
	v33 =	vsel vm3, v18, v20;
	v6 =	vsel vm0, $0x5, v48  }
0x1bc: {  	vm0 =	vnez.u8 v50;
	v19 =	vld.idx.msk [tilespmem:v9+s2+$0x0], $0xffff;
	v9 =	vimm.s32 $0x0;
	vm14 =	vnez.u8 v15  }
0x1bd: {  	[tilespmem:$0x1FF30] =	vst v14;
	v58 =	vld [tilespmem:$0x1FEB0];
	v15 =	vimm.s32 $0xA;
	v9 =	vsel vm8, $0xFFFFFFFF, v9;
	vm8 =	vgt.f32 v29, v26  }
0x1be: {  	v10 =	vld.idx.msk [tilespmem:v10+s2+$0x0], $0xffff;
	[tilespmem:$0x1FE90] =	vst v36;
	v13 =	vsel vm14, $0x9, v53;
	vm14 =	vnez.u8 v16;
	v14 =	vsel vm8, $0xFFFFFFFF, v40  }
0x1bf: {  	v55 =	vld [tilespmem:$0x1FE80];
	[tilespmem:$0x1FE70] =	vst v9;
	v23 =	vsel vm8, v29, v26;
	vm8 =	vgt.f32 v21, v45;
	v29 =	vsel vm5, v35, v17  }
0x1c0: {  	v9 =	vld [tilespmem:$0x1FDC0];
	v15 =	vsel vm14, $0xB, v15;
	vm14 =	vnez.u8 v59;
	[tilespmem:$0x1FF40] =	vst v14;
	v14 =	vsel vm7, $0xFFFFFFFF, v41  }
0x1c1: {  	v56 =	vld [tilespmem:$0x1FE90];
	vm15 =	vgt.f32 v23, v1;
	vm7 =	vgt.f32 v46, v2;
	v41 =	vsel vm8, v21, v45  }
0x1c2: {  	v16 =	vld [tilespmem:$0x1FE50];
	v36 =	vsel vm10, v15, v13;
	vm10 =	vnez.u8 v58;
	[tilespmem:$0x1FF50] =	vst v14;
	v14 =	vsel vm2, $0xFFFFFFFF, v42  }
0x1c3: {  	v57 =	vld [tilespmem:$0x1FEA0];
	vm2 =	vgt.f32 v3, v4;
	v25 =	vsel vm15, v23, v1;
	vm4 =	vgt.f32 v19, v11  }
0x1c4: {  	v63 =	vld [tilespmem:$0x1FEE0];
	v20 =	vsel vm7, v46, v2;
	[tilespmem:$0x1FF60] =	vst v14;
	v14 =	vsel vm4, $0xFFFFFFFF, v43;
	v11 =	vsel vm4, v19, v11  }
0x1c5: {  	v17 =	vld [tilespmem:$0x1FE60];
	v43 =	vsel vm1, v24, v22;
	[tilespmem:$0x1FF80] =	vst v14;
	v14 =	vsel vm1, $0xFFFFFFFF, v54;
	vm1 =	vnez.u8 v55  }
0x1c6: {  	v18 =	vld [tilespmem:$0x1FE70];
	v42 =	vsel vm2, v3, v4;
	vm4 =	vgt.f32 v11, v8;
	v28 =	vsel vm1, v0, v7  }
0x1c7: {  	v60 =	vld [tilespmem:$0x1FED0];
	vm1 =	vnez.u8 v56;
	v0 =	vsel vm7, $0xFFFFFFFF, v61;
	vm7 =	vmmov vm3  }
0x1c8: {  	s8 =	sadd.s32 $0x2, s8;
	v21 =	vsel vm4, v11, v8;
	v26 =	vsel vm1, v12, v6;
	vm1 =	vnez.u8 v57;
	[tilespmem:$0x1FFC0] =	vst v0;
	v9 =	vld.idx.msk [tilespmem:v9+s2+$0x0], $0xffff  }
0x1c9: {  	p0 =	slt.u32 s8, $0x1E;
	v0 =	vsel vm4, $0xFFFFFFFF, v62;
	vm4 =	vmmov vm2;
	vm2 =	vmmov vm9;
	[tilespmem:v51+s2+$0x0] =	vst.idx.add.f32.msk vm0, v39  }
.Ltmp0:
0x1ca: {  	vm9 =	vnez.u8 v63;
	[tilespmem:v16+s2+$0x0] =	vst.idx.add.f32.msk vm0, v39;
	v16 =	vimm.s32 $0xC;
	vm0 =	vnez.u8 v17;
	(pc) =	sbr.rel @p0 .LBB2_2-.Ltmp0, $4  }
0x1cb: {  	v17 =	vimm.s32 $0xE;
	v16 =	vsel vm0, $0xD, v16;
	vm0 =	vnez.u8 v18  }
0x1cc: {  	[tilespmem:$0x1FFB0] =	vst v14;
	v40 =	vsel vm1, $0x1, v47;
	v18 =	vimm.s32 $0x0;
	v17 =	vsel vm0, $0xF, v17  }
0x1cd: {  	[tilespmem:$0x1FFD0] =	vst v0;
	v18 =	vsel vm8, $0xFFFFFFFF, v18;
	vm0 =	vgt.f32 v33, v30;
	vm8 =	vgt.f32 v34, v29  }
0x1ce: {  	s9 =	sadd.s32 $0x20, s9;
	v44 =	vld [tilespmem:$0x1FFF0];
	[tilespmem:$0x1FFA0] =	vst v18;
	v39 =	vsel vm12, v17, v16;
	v17 =	vimm.s32 $0x0;
	vm12 =	vnez.u8 v60  }
0x1cf: {  	v1 =	vld [tilespmem:$0x1FF00]  }
0x1d0: {  	v18 =	vimm.s32 $0x2;
	v2 =	vld [tilespmem:$0x1FF10]  }
0x1d1: {  	v11 =	vimm.s32 $0x4;
	v12 =	vimm.s32 $0x6;
	v13 =	vimm.s32 $0x8;
	v7 =	vld [tilespmem:$0x1FFA0]  }
0x1d2: {  	v14 =	vimm.s32 $0xA;
	v15 =	vimm.s32 $0xC;
	v16 =	vimm.s32 $0xE;
	v8 =	vld [tilespmem:$0x1FFB0]  }
0x1d3: {  	v48 =	vld [tilespmem:$0x1FF60];
	v51 =	vsel vm0, v33, v30;
	v52 =	vsel vm8, v34, v29;
	v0 =	vsel vm9, $0x3, v18  }
0x1d4: {  	v50 =	vld [tilespmem:$0x1FF80];
	v4 =	vsel vm12, $0xB, v14;
	v5 =	vsel vm14, $0xD, v15;
	v6 =	vsel vm10, $0xF, v16  }
0x1d5: {  	v3 =	vld [tilespmem:$0x1FF20];
	v45 =	vsel vm13, $0x5, v11;
	v46 =	vsel vm11, $0x7, v12;
	vm11 =	vgt.f32 v21, v20  }
0x1d6: {  	v47 =	vld [tilespmem:$0x1FF50];
	v0 =	vsel vm2, v0, v40;
	v38 =	vsel vm6, v6, v5;
	v54 =	vsel vm4, v46, v45  }
0x1d7: {  	v40 =	vld [tilespmem:$0x1FF40];
	v58 =	vsel vm11, v21, v20;
	vm1 =	vnez.u8 v1;
	vm9 =	vnez.u8 v2  }
0x1d8: {  	vm12 =	vnez.u8 v7;
	vm14 =	vnez.u8 v8;
	vm13 =	vnez.u8 v48  }
0x1d9: {  	v55 =	vld [tilespmem:$0x1FFC0];
	vm6 =	vnez.u8 v50;
	v1 =	vsel vm1, $0x5, v11;
	v2 =	vsel vm9, $0x7, v12  }
0x1da: {  	v49 =	vld [tilespmem:$0x1FF70];
	vm9 =	vnez.u8 v3;
	v7 =	vsel vm12, v26, v28;
	v8 =	vsel vm14, v39, v36  }
0x1db: {  	vm12 =	vnez.u8 v47;
	vm14 =	vgt.f32 v43, v41;
	v3 =	vsel vm9, $0x9, v13  }
0x1dc: {  	v39 =	vld [tilespmem:$0x1FF30];
	v1 =	vsel vm7, v2, v1;
	vm10 =	vnez.u8 v40;
	v12 =	vsel vm12, $0x9, v13  }
0x1dd: {  	v56 =	vld [tilespmem:$0x1FFD0];
	v13 =	vsel vm13, $0xB, v14;
	v7 =	vsel vm14, v8, v7;
	v8 =	vsel vm6, $0xF, v16  }
0x1de: {  	vm7 =	vnez.u8 v55;
	v37 =	vsel vm5, v4, v3;
	v5 =	vsel vm10, $0x3, v18  }
0x1df: {  	vm5 =	vnez.u8 v49;
	v0 =	vsel vm0, v1, v0;
	vm10 =	vgt.f32 v42, v25  }
0x1e0: {  	v7 =	vshll.u32 v7, $0x4;
	v14 =	vsel vm5, $0xD, v15;
	v2 =	vsel vm8, v38, v37  }
0x1e1: {  	vm8 =	vgt.f32 v52, v51;
	v57 =	vsel vm10, v42, v25;
	vm9 =	vnez.u8 v39  }
0x1e2: {  	v0 =	vsel vm8, v2, v0;
	v4 =	vsel vm9, $0x1, v17;
	vm9 =	vnez.u8 v56  }
0x1e3: {  	v53 =	vsel vm15, v5, v4;
	v5 =	vsel vm7, v13, v12;
	v1 =	vsel vm9, v8, v14  }
0x1e4: {  	v61 =	vld [tilespmem:$0x1FFE0];
	vm12 =	vgt.f32 v58, v57;
	v3 =	vsel vm10, v54, v53;
	v1 =	vsel vm11, v1, v5  }
0x1e5: {  	v62 =	vld [tilespmem:$0x1FF90];
	v0 =	vor.u32 v0, v7;
	v1 =	vsel vm12, v1, v3  }
0x1e6: {  	v59 =	vshll.u32 v0, v1  }
0x1e7: {  	vm13 =	vgt.f32 v9, $5.000000000e-01;
	v0 =	vshrl.u32 v0, v1;
	v60 =	vand.u32 $0xFF, v59  }
0x1e8: {  	vm14 =	vgt.f32 v10, $5.000000000e-01;
	v0 =	vsel vm13, v60, v0  }
0x1e9: {  	vm0 =	vmor vm13, vm14;
	vm15 =	vnez.u8 v61;
	v1 =	vand.u32 $0xF, v0  }
0x1ea: {  	vm0 =	vmand vm15, vm0;
	v0 =	vshrl.u32 v0, $0x4;
	v1 =	vor.u32 v62, v1  }
0x1eb: {  	v0 =	vadd.s32 v62, v0;
	v1 =	vadd.s32 $0x33, v1  }
0x1ec: {  	v0 =	vadd.s32 $0x43, v0;
	_ =	sdelay $0x2  }
0x1ed: {  	v63 =	vimm.f32 $2.000000000e+00;
	s7 =	sadd.s32 $0x1, s7  }
0x1ee: {  	p0 =	sne.s32 s7, s5;
	[tilespmem:v1+s2+$0x0] =	vst.idx.add.f32.msk vm0, v63  }
.Ltmp1:
0x1ef: {  	[tilespmem:v0+s2+$0x0] =	vst.idx.add.f32.msk vm0, v63;
	(pc) =	sbr.rel @p0 .LBB2_1-.Ltmp1, $4  }
0x1f0: {  	[hbm4b:s4+s2] =	stream.linear.scatter [tilespmem:s2], [sflag:$0x1], $0x10000, $0x38;
	[tilespmem:$0x10000] =	vst v63  }
0x1f1: {  	_ =	swait.ge [sflag:s6], $0x10000  }
0x1f2: {  	[sflag:s6] =	ssyncset.done $0x0  }
0x1f3: {  	[sflag:s6] =	ssyncadd.s32 $0xFFFF0000  }
0x1f4: {  	_ =	sfence.sel $0x180000  }
0x1f5: {  	[bflag:$0x0] =	sbarrier.arrive $0xFFFF  }
0x1f6: {  	p0 =	sne.s32 s0, $0x0;
	_ =	strace $0x90000047  }
0x1f7: {  	s0 =	sadd.s32 @!p0 $0x100000, s1;
	[bflag:$0x2] =	sbarrier.arrive $0xFFFF  }
0x1f8: {  	[sflag:s0] =	ssyncadd.tile.s32 @!p0 $0x1;
	_ =	shalt  }
.Lfunc_end2:
_tile_overlayer_lowered:
.L_overlay_start_2:
0x1f9: {  	(tag) =	ssettag $0x2  }
0x1fa: {  	s0 =	rddreg [dreg:$0x0];
	s2 =	stileid.u32  }
0x1fb: {  	s1 =	rddreg [dreg:$0x1];
	p0 =	sne.s32 s2, $0x0  }
0x1fc: {  	s3 =	rddreg [dreg:$0x2];
	[bflag:$0x3] =	sbarrier.arrive $0xFFFF;
	s2 =	simm.s32 @!p0 $0x1C01  }
0x1fd: {  	[timem:s3], [sflag:s2] =	dma.local @!p0 [hbm:s0], s1  }
0x1fe: {  	s0 =	simm.s32 @!p0 $0x1  }
0x1ff: {  	_ =	swait.ge @!p0 [sflag:s0], s1  }
0x200: {  	s1 =	ssub.s32 @!p0 $0x0, s1;
	[sflag:s0] =	ssyncset.done @!p0 $0x0  }
0x201: {  	[sflag:s0] =	ssyncadd.s32 @!p0 s1  }
0x202: {  	[bflag:$0x3] =	sbarrier.arrive $0xFFFF  }
0x203: {  	_ =	shalt  }

</sc_bundles>
